<compile_context>
chip_gen: v7x
topology: tpu7x:2x2x1
jax: 0.10.2.dev20260603
libtpu: 0.0.44.dev20260713+nightly
codegen_flags: <defaults>
</compile_context>

<pallas_src>
import functools

import jax
import jax.numpy as jnp
from jax import lax
from jax.experimental import pallas as pl
from jax.experimental.pallas import tpu as pltpu
from jax.experimental.pallas import tpu_sc as plsc

N_NODES = 10000
NP = 10240
E = 320000
D = 128
NC, NS, L = 2, 16, 16
NW = NC * NS
EPT = E // NW
CHUNK = 80
NCH = EPT // CHUNK
NCH_H = EPT // L
ROWS_PT = NP // NS

_mesh = functools.partial(
    plsc.VectorSubcoreMesh, core_axis_name="c", subcore_axis_name="s")


def _hist_body(edges_hbm, hist_hbm, src_v, dst_v, hout_v, hin_v):
    cid = lax.axis_index("c")
    sid = lax.axis_index("s")
    wid = sid * NC + cid
    pltpu.sync_copy(edges_hbm.at[0, wid, 0], src_v)
    pltpu.sync_copy(edges_hbm.at[1, wid, 0], dst_v)

    zeros16 = jnp.zeros((L,), jnp.float32)
    ones16 = jnp.ones((L,), jnp.float32)

    def zero(i, c):
        hout_v[pl.ds(i * L, L)] = zeros16
        hin_v[pl.ds(i * L, L)] = zeros16
        return c

    lax.fori_loop(0, NP // L, zero, 0)

    def accum(r, c):
        sidx = src_v[pl.ds(r * L, L)]
        plsc.addupdate_scatter(hout_v, [sidx], ones16)
        didx = dst_v[pl.ds(r * L, L)]
        plsc.addupdate_scatter(hin_v, [didx], ones16)
        return c

    lax.fori_loop(0, NCH_H, accum, 0)

    pltpu.sync_copy(hout_v, hist_hbm.at[0, wid, 0])
    pltpu.sync_copy(hin_v, hist_hbm.at[1, wid, 0])


def _hist_call(edges):
    return pl.kernel(
        _hist_body,
        out_type=jax.ShapeDtypeStruct((2, NW, 1, NP), jnp.float32),
        mesh=_mesh(),
        scratch_types=[
            pltpu.VMEM((EPT,), jnp.int32),
            pltpu.VMEM((EPT,), jnp.int32),
            pltpu.VMEM((NP,), jnp.float32),
            pltpu.VMEM((NP,), jnp.float32),
        ],
        compiler_params=pltpu.CompilerParams(needs_layout_passes=False),
    )(edges)


ROWS_TC = 1024


def _scale_body(hist_ref, nf_ref, out_ref):
    deg = jnp.maximum(jnp.sum(hist_ref[0], axis=0), 1.0)
    norm = lax.rsqrt(deg)
    for k in range(ROWS_TC // 128):
        sl = slice(k * 128, (k + 1) * 128)
        col = jnp.broadcast_to(norm[None, sl], (128, 128)).T
        out_ref[sl, :] = nf_ref[sl, :] * col


def _scale_call(hist, node_f):
    return pl.pallas_call(
        _scale_body,
        grid=(NP // ROWS_TC,),
        in_specs=[
            pl.BlockSpec((2, NW, ROWS_TC), lambda j: (0, 0, j)),
            pl.BlockSpec((ROWS_TC, D), lambda j: (j, 0)),
        ],
        out_specs=pl.BlockSpec((ROWS_TC, D), lambda j: (j, 0)),
        out_shape=jax.ShapeDtypeStruct((NP, D), jnp.float32),
    )(hist, node_f)


NBUF = 2


def _mp_body(scaled_hbm, eflat_hbm, edges_hbm, acc_hbm, src_v, dst_v, rows_v,
             gsem, ssem, acc_sh):
    cid = lax.axis_index("c")
    sid = lax.axis_index("s")
    wid = sid * NC + cid
    pltpu.sync_copy(eflat_hbm.at[0, wid, 0], src_v)
    pltpu.sync_copy(edges_hbm.at[1, wid], dst_v)

    zeros16 = jnp.zeros((L,), jnp.float32)

    def zero(r, c):
        for k in range(D // L):
            rows_v[0, r, pl.ds(k * L, L)] = zeros16
        return c

    lax.fori_loop(0, CHUNK, zero, 0)
    for b in range(ROWS_PT // CHUNK):
        pltpu.sync_copy(
            rows_v.at[0], acc_sh.at[pl.ds(sid * ROWS_PT + b * CHUNK, CHUNK)])
    plsc.subcore_barrier()

    def g_start(j, b):
        pltpu.async_copy(scaled_hbm.at[src_v.at[pl.ds(j * CHUNK, CHUNK)]],
                         rows_v.at[b], gsem.at[b])

    def g_wait(j, b):
        pltpu.make_async_copy(scaled_hbm.at[src_v.at[pl.ds(j * CHUNK, CHUNK)]],
                              rows_v.at[b], gsem.at[b]).wait()

    def s_start(j, b):
        pltpu.async_copy(rows_v.at[b], acc_sh.at[dst_v.at[j]],
                         ssem.at[b], add=True)

    def s_wait(j, b):
        pltpu.make_async_copy(rows_v.at[b], acc_sh.at[dst_v.at[j]],
                              ssem.at[b]).wait()

    for b in range(NBUF):
        g_start(b, b)

    def step(i, c):
        for b in range(NBUF):
            j = i * NBUF + b
            g_wait(j, b)
            s_start(j, b)
            s_wait(j, b)

            @pl.when(j + NBUF < NCH)
            def _():
                g_start(j + NBUF, b)
        return c

    lax.fori_loop(0, NCH // NBUF, step, 0)
    for j in range((NCH // NBUF) * NBUF, NCH):
        b = j % NBUF
        g_wait(j, b)
        s_start(j, b)
        s_wait(j, b)

    plsc.subcore_barrier()
    pltpu.sync_copy(acc_sh.at[pl.ds(sid * ROWS_PT, ROWS_PT)],
                    acc_hbm.at[cid, pl.ds(sid * ROWS_PT, ROWS_PT)])


def _mp_call(scaled, eflat, edges):
    return pl.kernel(
        _mp_body,
        out_type=jax.ShapeDtypeStruct((NC, NP, D), jnp.float32),
        mesh=_mesh(),
        scratch_types=[
            pltpu.VMEM((EPT,), jnp.int32),
            pltpu.VMEM((NCH, CHUNK), jnp.int32),
            pltpu.VMEM((NBUF, CHUNK, D), jnp.float32),
            pltpu.SemaphoreType.DMA((NBUF,)),
            pltpu.SemaphoreType.DMA((NBUF,)),
            pltpu.VMEM_SHARED((NP, D), jnp.float32),
        ],
    )(scaled, eflat, edges)


def _final_body(acc_ref, hist_ref, out_ref):
    deg = jnp.maximum(jnp.sum(hist_ref[0], axis=0), 1.0)
    norm = lax.rsqrt(deg)
    for k in range(ROWS_TC // 128):
        sl = slice(k * 128, (k + 1) * 128)
        col = jnp.broadcast_to(norm[None, sl], (128, 128)).T
        out_ref[sl, :] = (acc_ref[0, sl, :] + acc_ref[1, sl, :]) * col


def _final_call(acc, hist):
    return pl.pallas_call(
        _final_body,
        grid=(NP // ROWS_TC,),
        in_specs=[
            pl.BlockSpec((NC, ROWS_TC, D), lambda j: (0, j, 0)),
            pl.BlockSpec((1, NW, ROWS_TC), lambda j: (1, 0, j)),
        ],
        out_specs=pl.BlockSpec((ROWS_TC, D), lambda j: (j, 0)),
        out_shape=jax.ShapeDtypeStruct((NP, D), jnp.float32),
    )(acc, hist)


def kernel(u_f, v_f, edge_index):
    node_f = jnp.concatenate([u_f, v_f], axis=0)
    node_f = jnp.pad(node_f, ((0, NP - N_NODES), (0, 0)))
    eflat = edge_index.reshape(2, NW, 1, EPT)
    edges = edge_index.reshape(2, NW, NCH, CHUNK)
    hist = _hist_call(eflat).reshape(2, NW, NP)
    scaled = _scale_call(hist, node_f)
    acc = _mp_call(scaled, eflat, edges)
    out = _final_call(acc, hist)
    return out[:N_NODES]

# --- scband reference (transcript-rebuilt; emitter-appended) ---
"""Pipeline reference for scband-gcnlayer-7997229105213 (READ-ONLY COPY).

The authoritative reference and input builder live on the scoring server;
editing this copy changes nothing except your own understanding.
"""

import jax, jax.numpy as jnp
import numpy as np

N_U = 5000
N_V = 5000
N_EDGES = 320000
D_FEAT = 128

def setup_inputs(seed: int = 0) -> dict:
    key = jax.random.key(seed)
    k1, k2, k3 = jax.random.split(key, 3)
    u_f = jax.random.normal(k1, (N_U, D_FEAT), dtype=jnp.float32)
    v_f = jax.random.normal(k2, (N_V, D_FEAT), dtype=jnp.float32)
    edge_index = jax.random.randint(k3, (2, N_EDGES), 0, N_U + N_V, dtype=jnp.int32)
    return {"u_f": u_f, "v_f": v_f, "edge_index": edge_index}

def reference(u_f, v_f, edge_index):
    # GCNLayer.forward with weight=False, bias=False, activation=None.
    # Nodes are concat([u, v]); graph edges are (src -> dst) in the combined node id space.
    N = u_f.shape[0] + v_f.shape[0]
    src = edge_index[0]
    dst = edge_index[1]
    node_f = jnp.concatenate([u_f, v_f], axis=0)
    # out-degree normalization on source side
    out_deg = jnp.maximum(jnp.bincount(src, length=N).astype(jnp.float32), 1.0)
    norm_out = jnp.power(out_deg, -0.5)[:, None]
    node_f = node_f * norm_out
    # message passing: copy_u then sum-reduce by destination (scatter-add)
    msg = jnp.take(node_f, src, axis=0)
    rst = jax.ops.segment_sum(msg, dst, num_segments=N)
    # in-degree normalization on destination side
    in_deg = jnp.maximum(jnp.bincount(dst, length=N).astype(jnp.float32), 1.0)
    norm_in = jnp.power(in_deg, -0.5)[:, None]
    rst = rst * norm_in
    return rst

if __name__ == "__main__":
    import jax
    _d = setup_inputs()
    print(jax.jit(kernel)(*tuple(_d.values())))

</pallas_src>

<mosaic_0001>
#map = affine_map<(d0, d1) -> (0, 0, 0, 0)>
module attributes {stable_mosaic.version = 14 : i64} {
  func.func @_hist_body(%arg0: i32, %arg1: i32, %arg2: memref<2x32x1x10000xi32, #tpu.memory_space<hbm>>, %arg3: memref<2x32x1x10240xf32, #tpu.memory_space<hbm>>, %arg4: memref<10000xi32, #tpu.memory_space<vmem>>, %arg5: memref<10000xi32, #tpu.memory_space<vmem>>, %arg6: memref<10240xf32, #tpu.memory_space<vmem>>, %arg7: memref<10240xf32, #tpu.memory_space<vmem>>) attributes {dimension_semantics = [#tpu.dimension_semantics<core_parallel>, #tpu.dimension_semantics<subcore_parallel>], iteration_bounds = array<i64: 2, 16>, scalar_prefetch = 0 : i64, scratch_operands = 4 : i64, tpu.core_type = #tpu.core_type<sc_vector_subcore>, window_params = [{transform_indices = #map}, {transform_indices = #map}]} {
    %mul3A = arith.constant 2 : i32
    %mul3A_0 = arith.muli %arg1, %mul3A : i32
    %add3A = arith.addi %mul3A_0, %arg0 : i32
    %run_scoped3A = arith.constant 0 : i32
    %run_scoped3A_1 = arith.constant 0 : i32
    "tpu.region"() ({
      %run_scoped3A_22 = tpu.sem_alloc : memref<!tpu.dma_semaphore, #tpu.memory_space<semaphore_mem>>
      %dma_start3A = arith.constant 0 : i32
      %dma_start3A_23 = tpu.memref_slice %arg2[%run_scoped3A, %add3A, %run_scoped3A_1, %dma_start3A] : memref<2x32x1x10000xi32, #tpu.memory_space<hbm>> -> memref<1x1x1x10000xi32, #tpu.memory_space<hbm>>
      %dma_start3A_24 = tpu.memref_squeeze %dma_start3A_23 : memref<1x1x1x10000xi32, #tpu.memory_space<hbm>> -> memref<10000xi32, #tpu.memory_space<hbm>>
      %dma_start3A_25 = arith.constant 0 : i32
      %dma_start3A_26 = tpu.memref_slice %arg2[%run_scoped3A, %add3A, %run_scoped3A_1, %dma_start3A_25] : memref<2x32x1x10000xi32, #tpu.memory_space<hbm>> -> memref<1x1x1x10000xi32, #tpu.memory_space<hbm>>
      %dma_start3A_27 = tpu.memref_squeeze %dma_start3A_26 : memref<1x1x1x10000xi32, #tpu.memory_space<hbm>> -> memref<10000xi32, #tpu.memory_space<hbm>>
      tpu.enqueue_dma source(%dma_start3A_27 : memref<10000xi32, #tpu.memory_space<hbm>>) target(%arg4 : memref<10000xi32, #tpu.memory_space<vmem>>) target_semaphore(%run_scoped3A_22 : memref<!tpu.dma_semaphore, #tpu.memory_space<semaphore_mem>>)
      %dma_wait3A = arith.constant 0 : i32
      %dma_wait3A_28 = tpu.memref_slice %arg2[%run_scoped3A, %add3A, %run_scoped3A_1, %dma_wait3A] : memref<2x32x1x10000xi32, #tpu.memory_space<hbm>> -> memref<1x1x1x10000xi32, #tpu.memory_space<hbm>>
      %dma_wait3A_29 = tpu.memref_squeeze %dma_wait3A_28 : memref<1x1x1x10000xi32, #tpu.memory_space<hbm>> -> memref<10000xi32, #tpu.memory_space<hbm>>
      %dma_wait3A_30 = arith.constant 0 : i32
      %dma_wait3A_31 = tpu.memref_slice %arg2[%run_scoped3A, %add3A, %run_scoped3A_1, %dma_wait3A_30] : memref<2x32x1x10000xi32, #tpu.memory_space<hbm>> -> memref<1x1x1x10000xi32, #tpu.memory_space<hbm>>
      %dma_wait3A_32 = tpu.memref_squeeze %dma_wait3A_31 : memref<1x1x1x10000xi32, #tpu.memory_space<hbm>> -> memref<10000xi32, #tpu.memory_space<hbm>>
      tpu.wait_dma2 semaphore(%run_scoped3A_22 : memref<!tpu.dma_semaphore, #tpu.memory_space<semaphore_mem>>) src(%dma_wait3A_32 : memref<10000xi32, #tpu.memory_space<hbm>>) dst(%arg4 : memref<10000xi32, #tpu.memory_space<vmem>>)
      tpu.yield
    }) : () -> ()
    %run_scoped3A_2 = arith.constant 1 : i32
    %run_scoped3A_3 = arith.constant 0 : i32
    "tpu.region"() ({
      %run_scoped3A_22 = tpu.sem_alloc : memref<!tpu.dma_semaphore, #tpu.memory_space<semaphore_mem>>
      %dma_start3A = arith.constant 0 : i32
      %dma_start3A_23 = tpu.memref_slice %arg2[%run_scoped3A_2, %add3A, %run_scoped3A_3, %dma_start3A] : memref<2x32x1x10000xi32, #tpu.memory_space<hbm>> -> memref<1x1x1x10000xi32, #tpu.memory_space<hbm>>
      %dma_start3A_24 = tpu.memref_squeeze %dma_start3A_23 : memref<1x1x1x10000xi32, #tpu.memory_space<hbm>> -> memref<10000xi32, #tpu.memory_space<hbm>>
      %dma_start3A_25 = arith.constant 0 : i32
      %dma_start3A_26 = tpu.memref_slice %arg2[%run_scoped3A_2, %add3A, %run_scoped3A_3, %dma_start3A_25] : memref<2x32x1x10000xi32, #tpu.memory_space<hbm>> -> memref<1x1x1x10000xi32, #tpu.memory_space<hbm>>
      %dma_start3A_27 = tpu.memref_squeeze %dma_start3A_26 : memref<1x1x1x10000xi32, #tpu.memory_space<hbm>> -> memref<10000xi32, #tpu.memory_space<hbm>>
      tpu.enqueue_dma source(%dma_start3A_27 : memref<10000xi32, #tpu.memory_space<hbm>>) target(%arg5 : memref<10000xi32, #tpu.memory_space<vmem>>) target_semaphore(%run_scoped3A_22 : memref<!tpu.dma_semaphore, #tpu.memory_space<semaphore_mem>>)
      %dma_wait3A = arith.constant 0 : i32
      %dma_wait3A_28 = tpu.memref_slice %arg2[%run_scoped3A_2, %add3A, %run_scoped3A_3, %dma_wait3A] : memref<2x32x1x10000xi32, #tpu.memory_space<hbm>> -> memref<1x1x1x10000xi32, #tpu.memory_space<hbm>>
      %dma_wait3A_29 = tpu.memref_squeeze %dma_wait3A_28 : memref<1x1x1x10000xi32, #tpu.memory_space<hbm>> -> memref<10000xi32, #tpu.memory_space<hbm>>
      %dma_wait3A_30 = arith.constant 0 : i32
      %dma_wait3A_31 = tpu.memref_slice %arg2[%run_scoped3A_2, %add3A, %run_scoped3A_3, %dma_wait3A_30] : memref<2x32x1x10000xi32, #tpu.memory_space<hbm>> -> memref<1x1x1x10000xi32, #tpu.memory_space<hbm>>
      %dma_wait3A_32 = tpu.memref_squeeze %dma_wait3A_31 : memref<1x1x1x10000xi32, #tpu.memory_space<hbm>> -> memref<10000xi32, #tpu.memory_space<hbm>>
      tpu.wait_dma2 semaphore(%run_scoped3A_22 : memref<!tpu.dma_semaphore, #tpu.memory_space<semaphore_mem>>) src(%dma_wait3A_32 : memref<10000xi32, #tpu.memory_space<hbm>>) dst(%arg5 : memref<10000xi32, #tpu.memory_space<vmem>>)
      tpu.yield
    }) : () -> ()
    %broadcast_in_dim3A = arith.constant 0.000000e+00 : f32
    %broadcast_in_dim3A_4 = vector.broadcast %broadcast_in_dim3A : f32 to vector<16xf32>
    %broadcast_in_dim3A_5 = arith.constant 1.000000e+00 : f32
    %broadcast_in_dim3A_6 = vector.broadcast %broadcast_in_dim3A_5 : f32 to vector<16xf32>
    %scan3A = arith.constant 0 : i32
    %scan3A_7 = arith.constant 0 : i32
    %scan3A_8 = arith.constant 640 : i32
    %scan3A_9 = arith.addi %scan3A_7, %scan3A_8 : i32
    %scan3A_10 = arith.constant 1 : i32
    scf.for %scan3A_22 = %scan3A_7 to %scan3A_9 step %scan3A_10  : i32 {
      %mul3A_23 = arith.constant 16 : i32
      %mul3A_24 = arith.muli %scan3A_22, %mul3A_23 : i32
      %swap3A = arith.index_cast %mul3A_24 : i32 to index
      %swap3A_25 = tpu.vector_load %arg6[%swap3A] {strides = array<i32>} : memref<10240xf32, #tpu.memory_space<vmem>>, vector<16xf32>,
      tpu.vector_store %arg6[%swap3A], %broadcast_in_dim3A_4 {strides = array<i32>} : memref<10240xf32, #tpu.memory_space<vmem>>, vector<16xf32>,
      %mul3A_26 = arith.constant 16 : i32
      %mul3A_27 = arith.muli %scan3A_22, %mul3A_26 : i32
      %swap3A_28 = arith.index_cast %mul3A_27 : i32 to index
      %swap3A_29 = tpu.vector_load %arg7[%swap3A_28] {strides = array<i32>} : memref<10240xf32, #tpu.memory_space<vmem>>, vector<16xf32>,
      tpu.vector_store %arg7[%swap3A_28], %broadcast_in_dim3A_4 {strides = array<i32>} : memref<10240xf32, #tpu.memory_space<vmem>>, vector<16xf32>,
    }
    %scan3A_11 = arith.constant 640 : i32
    %scan3A_12 = arith.constant 0 : i32
    %scan3A_13 = arith.constant 0 : i32
    %scan3A_14 = arith.constant 625 : i32
    %scan3A_15 = arith.addi %scan3A_13, %scan3A_14 : i32
    %scan3A_16 = arith.constant 1 : i32
    scf.for %scan3A_22 = %scan3A_13 to %scan3A_15 step %scan3A_16  : i32 {
      %mul3A_23 = arith.constant 16 : i32
      %mul3A_24 = arith.muli %scan3A_22, %mul3A_23 : i32
      %get3A = arith.index_cast %mul3A_24 : i32 to index
      %get3A_25 = tpu.vector_load %arg4[%get3A] {strides = array<i32>} : memref<10000xi32, #tpu.memory_space<vmem>>, vector<16xi32>,
      tpu.vector_store_idx %arg6[%get3A_25], %broadcast_in_dim3A_6 {add = true} : memref<10240xf32, #tpu.memory_space<vmem>>[vector<16xi32>], vector<16xf32>,
      %mul3A_26 = arith.constant 16 : i32
      %mul3A_27 = arith.muli %scan3A_22, %mul3A_26 : i32
      %get3A_28 = arith.index_cast %mul3A_27 : i32 to index
      %get3A_29 = tpu.vector_load %arg5[%get3A_28] {strides = array<i32>} : memref<10000xi32, #tpu.memory_space<vmem>>, vector<16xi32>,
      tpu.vector_store_idx %arg7[%get3A_29], %broadcast_in_dim3A_6 {add = true} : memref<10240xf32, #tpu.memory_space<vmem>>[vector<16xi32>], vector<16xf32>,
    }
    %scan3A_17 = arith.constant 625 : i32
    %run_scoped3A_18 = arith.constant 0 : i32
    %run_scoped3A_19 = arith.constant 0 : i32
    "tpu.region"() ({
      %run_scoped3A_22 = tpu.sem_alloc : memref<!tpu.dma_semaphore, #tpu.memory_space<semaphore_mem>>
      %dma_start3A = arith.constant 0 : i32
      %dma_start3A_23 = tpu.memref_slice %arg3[%run_scoped3A_18, %add3A, %run_scoped3A_19, %dma_start3A] : memref<2x32x1x10240xf32, #tpu.memory_space<hbm>> -> memref<1x1x1x10240xf32, #tpu.memory_space<hbm>>
      %dma_start3A_24 = tpu.memref_squeeze %dma_start3A_23 : memref<1x1x1x10240xf32, #tpu.memory_space<hbm>> -> memref<10240xf32, #tpu.memory_space<hbm>>
      %dma_start3A_25 = arith.constant 0 : i32
      %dma_start3A_26 = tpu.memref_slice %arg3[%run_scoped3A_18, %add3A, %run_scoped3A_19, %dma_start3A_25] : memref<2x32x1x10240xf32, #tpu.memory_space<hbm>> -> memref<1x1x1x10240xf32, #tpu.memory_space<hbm>>
      %dma_start3A_27 = tpu.memref_squeeze %dma_start3A_26 : memref<1x1x1x10240xf32, #tpu.memory_space<hbm>> -> memref<10240xf32, #tpu.memory_space<hbm>>
      tpu.enqueue_dma source(%arg6 : memref<10240xf32, #tpu.memory_space<vmem>>) target(%dma_start3A_27 : memref<10240xf32, #tpu.memory_space<hbm>>) target_semaphore(%run_scoped3A_22 : memref<!tpu.dma_semaphore, #tpu.memory_space<semaphore_mem>>)
      %dma_wait3A = arith.constant 0 : i32
      %dma_wait3A_28 = tpu.memref_slice %arg3[%run_scoped3A_18, %add3A, %run_scoped3A_19, %dma_wait3A] : memref<2x32x1x10240xf32, #tpu.memory_space<hbm>> -> memref<1x1x1x10240xf32, #tpu.memory_space<hbm>>
      %dma_wait3A_29 = tpu.memref_squeeze %dma_wait3A_28 : memref<1x1x1x10240xf32, #tpu.memory_space<hbm>> -> memref<10240xf32, #tpu.memory_space<hbm>>
      %dma_wait3A_30 = arith.constant 0 : i32
      %dma_wait3A_31 = tpu.memref_slice %arg3[%run_scoped3A_18, %add3A, %run_scoped3A_19, %dma_wait3A_30] : memref<2x32x1x10240xf32, #tpu.memory_space<hbm>> -> memref<1x1x1x10240xf32, #tpu.memory_space<hbm>>
      %dma_wait3A_32 = tpu.memref_squeeze %dma_wait3A_31 : memref<1x1x1x10240xf32, #tpu.memory_space<hbm>> -> memref<10240xf32, #tpu.memory_space<hbm>>
      tpu.wait_dma2 semaphore(%run_scoped3A_22 : memref<!tpu.dma_semaphore, #tpu.memory_space<semaphore_mem>>) src(%arg6 : memref<10240xf32, #tpu.memory_space<vmem>>) dst(%dma_wait3A_32 : memref<10240xf32, #tpu.memory_space<hbm>>)
      tpu.yield
    }) : () -> ()
    %run_scoped3A_20 = arith.constant 1 : i32
    %run_scoped3A_21 = arith.constant 0 : i32
    "tpu.region"() ({
      %run_scoped3A_22 = tpu.sem_alloc : memref<!tpu.dma_semaphore, #tpu.memory_space<semaphore_mem>>
      %dma_start3A = arith.constant 0 : i32
      %dma_start3A_23 = tpu.memref_slice %arg3[%run_scoped3A_20, %add3A, %run_scoped3A_21, %dma_start3A] : memref<2x32x1x10240xf32, #tpu.memory_space<hbm>> -> memref<1x1x1x10240xf32, #tpu.memory_space<hbm>>
      %dma_start3A_24 = tpu.memref_squeeze %dma_start3A_23 : memref<1x1x1x10240xf32, #tpu.memory_space<hbm>> -> memref<10240xf32, #tpu.memory_space<hbm>>
      %dma_start3A_25 = arith.constant 0 : i32
      %dma_start3A_26 = tpu.memref_slice %arg3[%run_scoped3A_20, %add3A, %run_scoped3A_21, %dma_start3A_25] : memref<2x32x1x10240xf32, #tpu.memory_space<hbm>> -> memref<1x1x1x10240xf32, #tpu.memory_space<hbm>>
      %dma_start3A_27 = tpu.memref_squeeze %dma_start3A_26 : memref<1x1x1x10240xf32, #tpu.memory_space<hbm>> -> memref<10240xf32, #tpu.memory_space<hbm>>
      tpu.enqueue_dma source(%arg7 : memref<10240xf32, #tpu.memory_space<vmem>>) target(%dma_start3A_27 : memref<10240xf32, #tpu.memory_space<hbm>>) target_semaphore(%run_scoped3A_22 : memref<!tpu.dma_semaphore, #tpu.memory_space<semaphore_mem>>)
      %dma_wait3A = arith.constant 0 : i32
      %dma_wait3A_28 = tpu.memref_slice %arg3[%run_scoped3A_20, %add3A, %run_scoped3A_21, %dma_wait3A] : memref<2x32x1x10240xf32, #tpu.memory_space<hbm>> -> memref<1x1x1x10240xf32, #tpu.memory_space<hbm>>
      %dma_wait3A_29 = tpu.memref_squeeze %dma_wait3A_28 : memref<1x1x1x10240xf32, #tpu.memory_space<hbm>> -> memref<10240xf32, #tpu.memory_space<hbm>>
      %dma_wait3A_30 = arith.constant 0 : i32
      %dma_wait3A_31 = tpu.memref_slice %arg3[%run_scoped3A_20, %add3A, %run_scoped3A_21, %dma_wait3A_30] : memref<2x32x1x10240xf32, #tpu.memory_space<hbm>> -> memref<1x1x1x10240xf32, #tpu.memory_space<hbm>>
      %dma_wait3A_32 = tpu.memref_squeeze %dma_wait3A_31 : memref<1x1x1x10240xf32, #tpu.memory_space<hbm>> -> memref<10240xf32, #tpu.memory_space<hbm>>
      tpu.wait_dma2 semaphore(%run_scoped3A_22 : memref<!tpu.dma_semaphore, #tpu.memory_space<semaphore_mem>>) src(%arg7 : memref<10240xf32, #tpu.memory_space<vmem>>) dst(%dma_wait3A_32 : memref<10240xf32, #tpu.memory_space<hbm>>)
      tpu.yield
    }) : () -> ()
    return
  }
}

#map = affine_map<(d0, d1) -> (0, 0)>
#map1 = affine_map<(d0, d1) -> (0, 0, 0, 0)>
#map2 = affine_map<(d0, d1) -> (0, 0, 0)>
module attributes {stable_mosaic.version = 14 : i64} {
  func.func @_mp_body(%arg0: i32, %arg1: i32, %arg2: memref<10240x128xf32, #tpu.memory_space<hbm>>, %arg3: memref<2x32x1x10000xi32, #tpu.memory_space<hbm>>, %arg4: memref<2x32x125x80xi32, #tpu.memory_space<hbm>>, %arg5: memref<2x10240x128xf32, #tpu.memory_space<hbm>>, %arg6: memref<10000xi32, #tpu.memory_space<vmem>>, %arg7: memref<125x80xi32, #tpu.memory_space<vmem>>, %arg8: memref<2x80x128xf32, #tpu.memory_space<vmem>>, %arg9: memref<2x!tpu.dma_semaphore, #tpu.memory_space<semaphore_mem>>, %arg10: memref<2x!tpu.dma_semaphore, #tpu.memory_space<semaphore_mem>>, %arg11: memref<10240x128xf32, #tpu.memory_space<vmem_shared>>) attributes {dimension_semantics = [#tpu.dimension_semantics<core_parallel>, #tpu.dimension_semantics<subcore_parallel>], iteration_bounds = array<i64: 2, 16>, scalar_prefetch = 0 : i64, scratch_operands = 6 : i64, tpu.core_type = #tpu.core_type<sc_vector_subcore>, window_params = [{transform_indices = #map}, {transform_indices = #map1}, {transform_indices = #map1}, {transform_indices = #map2}]} {
    %mul3A = arith.constant 2 : i32
    %mul3A_0 = arith.muli %arg1, %mul3A : i32
    %add3A = arith.addi %mul3A_0, %arg0 : i32
    %run_scoped3A = arith.constant 0 : i32
    %run_scoped3A_1 = arith.constant 0 : i32
    "tpu.region"() ({
      %run_scoped3A_127 = tpu.sem_alloc : memref<!tpu.dma_semaphore, #tpu.memory_space<semaphore_mem>>
      %dma_start3A_128 = arith.constant 0 : i32
      %dma_start3A_129 = tpu.memref_slice %arg3[%run_scoped3A, %add3A, %run_scoped3A_1, %dma_start3A_128] : memref<2x32x1x10000xi32, #tpu.memory_space<hbm>> -> memref<1x1x1x10000xi32, #tpu.memory_space<hbm>>
      %dma_start3A_130 = tpu.memref_squeeze %dma_start3A_129 : memref<1x1x1x10000xi32, #tpu.memory_space<hbm>> -> memref<10000xi32, #tpu.memory_space<hbm>>
      %dma_start3A_131 = arith.constant 0 : i32
      %dma_start3A_132 = tpu.memref_slice %arg3[%run_scoped3A, %add3A, %run_scoped3A_1, %dma_start3A_131] : memref<2x32x1x10000xi32, #tpu.memory_space<hbm>> -> memref<1x1x1x10000xi32, #tpu.memory_space<hbm>>
      %dma_start3A_133 = tpu.memref_squeeze %dma_start3A_132 : memref<1x1x1x10000xi32, #tpu.memory_space<hbm>> -> memref<10000xi32, #tpu.memory_space<hbm>>
      tpu.enqueue_dma source(%dma_start3A_133 : memref<10000xi32, #tpu.memory_space<hbm>>) target(%arg6 : memref<10000xi32, #tpu.memory_space<vmem>>) target_semaphore(%run_scoped3A_127 : memref<!tpu.dma_semaphore, #tpu.memory_space<semaphore_mem>>)
      %dma_wait3A_134 = arith.constant 0 : i32
      %dma_wait3A_135 = tpu.memref_slice %arg3[%run_scoped3A, %add3A, %run_scoped3A_1, %dma_wait3A_134] : memref<2x32x1x10000xi32, #tpu.memory_space<hbm>> -> memref<1x1x1x10000xi32, #tpu.memory_space<hbm>>
      %dma_wait3A_136 = tpu.memref_squeeze %dma_wait3A_135 : memref<1x1x1x10000xi32, #tpu.memory_space<hbm>> -> memref<10000xi32, #tpu.memory_space<hbm>>
      %dma_wait3A_137 = arith.constant 0 : i32
      %dma_wait3A_138 = tpu.memref_slice %arg3[%run_scoped3A, %add3A, %run_scoped3A_1, %dma_wait3A_137] : memref<2x32x1x10000xi32, #tpu.memory_space<hbm>> -> memref<1x1x1x10000xi32, #tpu.memory_space<hbm>>
      %dma_wait3A_139 = tpu.memref_squeeze %dma_wait3A_138 : memref<1x1x1x10000xi32, #tpu.memory_space<hbm>> -> memref<10000xi32, #tpu.memory_space<hbm>>
      tpu.wait_dma2 semaphore(%run_scoped3A_127 : memref<!tpu.dma_semaphore, #tpu.memory_space<semaphore_mem>>) src(%dma_wait3A_139 : memref<10000xi32, #tpu.memory_space<hbm>>) dst(%arg6 : memref<10000xi32, #tpu.memory_space<vmem>>)
      tpu.yield
    }) : () -> ()
    %run_scoped3A_2 = arith.constant 1 : i32
    "tpu.region"() ({
      %run_scoped3A_127 = tpu.sem_alloc : memref<!tpu.dma_semaphore, #tpu.memory_space<semaphore_mem>>
      %dma_start3A_128 = arith.constant 0 : i32
      %dma_start3A_129 = arith.constant 0 : i32
      %dma_start3A_130 = tpu.memref_slice %arg4[%run_scoped3A_2, %add3A, %dma_start3A_128, %dma_start3A_129] : memref<2x32x125x80xi32, #tpu.memory_space<hbm>> -> memref<1x1x125x80xi32, #tpu.memory_space<hbm>>
      %dma_start3A_131 = tpu.memref_squeeze %dma_start3A_130 : memref<1x1x125x80xi32, #tpu.memory_space<hbm>> -> memref<125x80xi32, #tpu.memory_space<hbm>>
      %dma_start3A_132 = arith.constant 0 : i32
      %dma_start3A_133 = arith.constant 0 : i32
      %dma_start3A_134 = tpu.memref_slice %arg4[%run_scoped3A_2, %add3A, %dma_start3A_132, %dma_start3A_133] : memref<2x32x125x80xi32, #tpu.memory_space<hbm>> -> memref<1x1x125x80xi32, #tpu.memory_space<hbm>>
      %dma_start3A_135 = tpu.memref_squeeze %dma_start3A_134 : memref<1x1x125x80xi32, #tpu.memory_space<hbm>> -> memref<125x80xi32, #tpu.memory_space<hbm>>
      tpu.enqueue_dma source(%dma_start3A_135 : memref<125x80xi32, #tpu.memory_space<hbm>>) target(%arg7 : memref<125x80xi32, #tpu.memory_space<vmem>>) target_semaphore(%run_scoped3A_127 : memref<!tpu.dma_semaphore, #tpu.memory_space<semaphore_mem>>)
      %dma_wait3A_136 = arith.constant 0 : i32
      %dma_wait3A_137 = arith.constant 0 : i32
      %dma_wait3A_138 = tpu.memref_slice %arg4[%run_scoped3A_2, %add3A, %dma_wait3A_136, %dma_wait3A_137] : memref<2x32x125x80xi32, #tpu.memory_space<hbm>> -> memref<1x1x125x80xi32, #tpu.memory_space<hbm>>
      %dma_wait3A_139 = tpu.memref_squeeze %dma_wait3A_138 : memref<1x1x125x80xi32, #tpu.memory_space<hbm>> -> memref<125x80xi32, #tpu.memory_space<hbm>>
      %dma_wait3A_140 = arith.constant 0 : i32
      %dma_wait3A_141 = arith.constant 0 : i32
      %dma_wait3A_142 = tpu.memref_slice %arg4[%run_scoped3A_2, %add3A, %dma_wait3A_140, %dma_wait3A_141] : memref<2x32x125x80xi32, #tpu.memory_space<hbm>> -> memref<1x1x125x80xi32, #tpu.memory_space<hbm>>
      %dma_wait3A_143 = tpu.memref_squeeze %dma_wait3A_142 : memref<1x1x125x80xi32, #tpu.memory_space<hbm>> -> memref<125x80xi32, #tpu.memory_space<hbm>>
      tpu.wait_dma2 semaphore(%run_scoped3A_127 : memref<!tpu.dma_semaphore, #tpu.memory_space<semaphore_mem>>) src(%dma_wait3A_143 : memref<125x80xi32, #tpu.memory_space<hbm>>) dst(%arg7 : memref<125x80xi32, #tpu.memory_space<vmem>>)
      tpu.yield
    }) : () -> ()
    %broadcast_in_dim3A = arith.constant 0.000000e+00 : f32
    %broadcast_in_dim3A_3 = vector.broadcast %broadcast_in_dim3A : f32 to vector<16xf32>
    %scan3A = arith.constant 0 : i32
    %scan3A_4 = arith.constant 0 : i32
    %scan3A_5 = arith.constant 80 : i32
    %scan3A_6 = arith.addi %scan3A_4, %scan3A_5 : i32
    %scan3A_7 = arith.constant 1 : i32
    scf.for %scan3A_127 = %scan3A_4 to %scan3A_6 step %scan3A_7  : i32 {
      %swap3A = arith.constant 0 : i32
      %swap3A_128 = arith.index_cast %swap3A : i32 to index
      %swap3A_129 = arith.index_cast %scan3A_127 : i32 to index
      %swap3A_130 = arith.constant 0 : index
      %swap3A_131 = tpu.vector_load %arg8[%swap3A_128, %swap3A_129, %swap3A_130] {strides = array<i32>} : memref<2x80x128xf32, #tpu.memory_space<vmem>>, vector<1x1x16xf32>,
      %swap3A_132 = vector.shape_cast %swap3A_131 : vector<1x1x16xf32> to vector<16xf32>
      %swap3A_133 = vector.shape_cast %broadcast_in_dim3A_3 : vector<16xf32> to vector<1x1x16xf32>
      tpu.vector_store %arg8[%swap3A_128, %swap3A_129, %swap3A_130], %swap3A_133 {strides = array<i32>} : memref<2x80x128xf32, #tpu.memory_space<vmem>>, vector<1x1x16xf32>,
      %swap3A_134 = arith.constant 0 : i32
      %swap3A_135 = arith.index_cast %swap3A_134 : i32 to index
      %swap3A_136 = arith.index_cast %scan3A_127 : i32 to index
      %swap3A_137 = arith.constant 16 : index
      %swap3A_138 = tpu.vector_load %arg8[%swap3A_135, %swap3A_136, %swap3A_137] {strides = array<i32>} : memref<2x80x128xf32, #tpu.memory_space<vmem>>, vector<1x1x16xf32>,
      %swap3A_139 = vector.shape_cast %swap3A_138 : vector<1x1x16xf32> to vector<16xf32>
      %swap3A_140 = vector.shape_cast %broadcast_in_dim3A_3 : vector<16xf32> to vector<1x1x16xf32>
      tpu.vector_store %arg8[%swap3A_135, %swap3A_136, %swap3A_137], %swap3A_140 {strides = array<i32>} : memref<2x80x128xf32, #tpu.memory_space<vmem>>, vector<1x1x16xf32>,
      %swap3A_141 = arith.constant 0 : i32
      %swap3A_142 = arith.index_cast %swap3A_141 : i32 to index
      %swap3A_143 = arith.index_cast %scan3A_127 : i32 to index
      %swap3A_144 = arith.constant 32 : index
      %swap3A_145 = tpu.vector_load %arg8[%swap3A_142, %swap3A_143, %swap3A_144] {strides = array<i32>} : memref<2x80x128xf32, #tpu.memory_space<vmem>>, vector<1x1x16xf32>,
      %swap3A_146 = vector.shape_cast %swap3A_145 : vector<1x1x16xf32> to vector<16xf32>
      %swap3A_147 = vector.shape_cast %broadcast_in_dim3A_3 : vector<16xf32> to vector<1x1x16xf32>
      tpu.vector_store %arg8[%swap3A_142, %swap3A_143, %swap3A_144], %swap3A_147 {strides = array<i32>} : memref<2x80x128xf32, #tpu.memory_space<vmem>>, vector<1x1x16xf32>,
      %swap3A_148 = arith.constant 0 : i32
      %swap3A_149 = arith.index_cast %swap3A_148 : i32 to index
      %swap3A_150 = arith.index_cast %scan3A_127 : i32 to index
      %swap3A_151 = arith.constant 48 : index
      %swap3A_152 = tpu.vector_load %arg8[%swap3A_149, %swap3A_150, %swap3A_151] {strides = array<i32>} : memref<2x80x128xf32, #tpu.memory_space<vmem>>, vector<1x1x16xf32>,
      %swap3A_153 = vector.shape_cast %swap3A_152 : vector<1x1x16xf32> to vector<16xf32>
      %swap3A_154 = vector.shape_cast %broadcast_in_dim3A_3 : vector<16xf32> to vector<1x1x16xf32>
      tpu.vector_store %arg8[%swap3A_149, %swap3A_150, %swap3A_151], %swap3A_154 {strides = array<i32>} : memref<2x80x128xf32, #tpu.memory_space<vmem>>, vector<1x1x16xf32>,
      %swap3A_155 = arith.constant 0 : i32
      %swap3A_156 = arith.index_cast %swap3A_155 : i32 to index
      %swap3A_157 = arith.index_cast %scan3A_127 : i32 to index
      %swap3A_158 = arith.constant 64 : index
      %swap3A_159 = tpu.vector_load %arg8[%swap3A_156, %swap3A_157, %swap3A_158] {strides = array<i32>} : memref<2x80x128xf32, #tpu.memory_space<vmem>>, vector<1x1x16xf32>,
      %swap3A_160 = vector.shape_cast %swap3A_159 : vector<1x1x16xf32> to vector<16xf32>
      %swap3A_161 = vector.shape_cast %broadcast_in_dim3A_3 : vector<16xf32> to vector<1x1x16xf32>
      tpu.vector_store %arg8[%swap3A_156, %swap3A_157, %swap3A_158], %swap3A_161 {strides = array<i32>} : memref<2x80x128xf32, #tpu.memory_space<vmem>>, vector<1x1x16xf32>,
      %swap3A_162 = arith.constant 0 : i32
      %swap3A_163 = arith.index_cast %swap3A_162 : i32 to index
      %swap3A_164 = arith.index_cast %scan3A_127 : i32 to index
      %swap3A_165 = arith.constant 80 : index
      %swap3A_166 = tpu.vector_load %arg8[%swap3A_163, %swap3A_164, %swap3A_165] {strides = array<i32>} : memref<2x80x128xf32, #tpu.memory_space<vmem>>, vector<1x1x16xf32>,
      %swap3A_167 = vector.shape_cast %swap3A_166 : vector<1x1x16xf32> to vector<16xf32>
      %swap3A_168 = vector.shape_cast %broadcast_in_dim3A_3 : vector<16xf32> to vector<1x1x16xf32>
      tpu.vector_store %arg8[%swap3A_163, %swap3A_164, %swap3A_165], %swap3A_168 {strides = array<i32>} : memref<2x80x128xf32, #tpu.memory_space<vmem>>, vector<1x1x16xf32>,
      %swap3A_169 = arith.constant 0 : i32
      %swap3A_170 = arith.index_cast %swap3A_169 : i32 to index
      %swap3A_171 = arith.index_cast %scan3A_127 : i32 to index
      %swap3A_172 = arith.constant 96 : index
      %swap3A_173 = tpu.vector_load %arg8[%swap3A_170, %swap3A_171, %swap3A_172] {strides = array<i32>} : memref<2x80x128xf32, #tpu.memory_space<vmem>>, vector<1x1x16xf32>,
      %swap3A_174 = vector.shape_cast %swap3A_173 : vector<1x1x16xf32> to vector<16xf32>
      %swap3A_175 = vector.shape_cast %broadcast_in_dim3A_3 : vector<16xf32> to vector<1x1x16xf32>
      tpu.vector_store %arg8[%swap3A_170, %swap3A_171, %swap3A_172], %swap3A_175 {strides = array<i32>} : memref<2x80x128xf32, #tpu.memory_space<vmem>>, vector<1x1x16xf32>,
      %swap3A_176 = arith.constant 0 : i32
      %swap3A_177 = arith.index_cast %swap3A_176 : i32 to index
      %swap3A_178 = arith.index_cast %scan3A_127 : i32 to index
      %swap3A_179 = arith.constant 112 : index
      %swap3A_180 = tpu.vector_load %arg8[%swap3A_177, %swap3A_178, %swap3A_179] {strides = array<i32>} : memref<2x80x128xf32, #tpu.memory_space<vmem>>, vector<1x1x16xf32>,
      %swap3A_181 = vector.shape_cast %swap3A_180 : vector<1x1x16xf32> to vector<16xf32>
      %swap3A_182 = vector.shape_cast %broadcast_in_dim3A_3 : vector<16xf32> to vector<1x1x16xf32>
      tpu.vector_store %arg8[%swap3A_177, %swap3A_178, %swap3A_179], %swap3A_182 {strides = array<i32>} : memref<2x80x128xf32, #tpu.memory_space<vmem>>, vector<1x1x16xf32>,
    }
    %scan3A_8 = arith.constant 80 : i32
    %mul3A_9 = arith.constant 640 : i32
    %mul3A_10 = arith.muli %arg1, %mul3A_9 : i32
    %add3A_11 = arith.constant 0 : i32
    %add3A_12 = arith.addi %mul3A_10, %add3A_11 : i32
    %run_scoped3A_13 = arith.constant 0 : i32
    "tpu.region"() ({
      %run_scoped3A_127 = tpu.sem_alloc : memref<!tpu.dma_semaphore, #tpu.memory_space<semaphore_mem>>
      %dma_start3A_128 = arith.constant 0 : i32
      %dma_start3A_129 = arith.constant 0 : i32
      %dma_start3A_130 = tpu.memref_slice %arg8[%run_scoped3A_13, %dma_start3A_128, %dma_start3A_129] : memref<2x80x128xf32, #tpu.memory_space<vmem>> -> memref<1x80x128xf32, #tpu.memory_space<vmem>>
      %dma_start3A_131 = tpu.memref_squeeze %dma_start3A_130 : memref<1x80x128xf32, #tpu.memory_space<vmem>> -> memref<80x128xf32, #tpu.memory_space<vmem>>
      %dma_start3A_132 = arith.constant 0 : i32
      %dma_start3A_133 = tpu.memref_slice %arg11[%add3A_12, %dma_start3A_132] : memref<10240x128xf32, #tpu.memory_space<vmem_shared>> -> memref<80x128xf32, #tpu.memory_space<vmem_shared>>
      %dma_start3A_134 = arith.constant 0 : i32
      %dma_start3A_135 = tpu.memref_slice %arg11[%add3A_12, %dma_start3A_134] : memref<10240x128xf32, #tpu.memory_space<vmem_shared>> -> memref<80x128xf32, #tpu.memory_space<vmem_shared>>
      %dma_start3A_136 = arith.constant 0 : i32
      %dma_start3A_137 = arith.constant 0 : i32
      %dma_start3A_138 = tpu.memref_slice %arg8[%run_scoped3A_13, %dma_start3A_136, %dma_start3A_137] : memref<2x80x128xf32, #tpu.memory_space<vmem>> -> memref<1x80x128xf32, #tpu.memory_space<vmem>>
      %dma_start3A_139 = tpu.memref_squeeze %dma_start3A_138 : memref<1x80x128xf32, #tpu.memory_space<vmem>> -> memref<80x128xf32, #tpu.memory_space<vmem>>
      tpu.enqueue_dma source(%dma_start3A_139 : memref<80x128xf32, #tpu.memory_space<vmem>>) target(%dma_start3A_135 : memref<80x128xf32, #tpu.memory_space<vmem_shared>>) target_semaphore(%run_scoped3A_127 : memref<!tpu.dma_semaphore, #tpu.memory_space<semaphore_mem>>)
      %dma_wait3A_140 = arith.constant 0 : i32
      %dma_wait3A_141 = arith.constant 0 : i32
      %dma_wait3A_142 = tpu.memref_slice %arg8[%run_scoped3A_13, %dma_wait3A_140, %dma_wait3A_141] : memref<2x80x128xf32, #tpu.memory_space<vmem>> -> memref<1x80x128xf32, #tpu.memory_space<vmem>>
      %dma_wait3A_143 = tpu.memref_squeeze %dma_wait3A_142 : memref<1x80x128xf32, #tpu.memory_space<vmem>> -> memref<80x128xf32, #tpu.memory_space<vmem>>
      %dma_wait3A_144 = arith.constant 0 : i32
      %dma_wait3A_145 = tpu.memref_slice %arg11[%add3A_12, %dma_wait3A_144] : memref<10240x128xf32, #tpu.memory_space<vmem_shared>> -> memref<80x128xf32, #tpu.memory_space<vmem_shared>>
      %dma_wait3A_146 = arith.constant 0 : i32
      %dma_wait3A_147 = tpu.memref_slice %arg11[%add3A_12, %dma_wait3A_146] : memref<10240x128xf32, #tpu.memory_space<vmem_shared>> -> memref<80x128xf32, #tpu.memory_space<vmem_shared>>
      %dma_wait3A_148 = arith.constant 0 : i32
      %dma_wait3A_149 = arith.constant 0 : i32
      %dma_wait3A_150 = tpu.memref_slice %arg8[%run_scoped3A_13, %dma_wait3A_148, %dma_wait3A_149] : memref<2x80x128xf32, #tpu.memory_space<vmem>> -> memref<1x80x128xf32, #tpu.memory_space<vmem>>
      %dma_wait3A_151 = tpu.memref_squeeze %dma_wait3A_150 : memref<1x80x128xf32, #tpu.memory_space<vmem>> -> memref<80x128xf32, #tpu.memory_space<vmem>>
      tpu.wait_dma2 semaphore(%run_scoped3A_127 : memref<!tpu.dma_semaphore, #tpu.memory_space<semaphore_mem>>) src(%dma_wait3A_151 : memref<80x128xf32, #tpu.memory_space<vmem>>) dst(%dma_wait3A_147 : memref<80x128xf32, #tpu.memory_space<vmem_shared>>)
      tpu.yield
    }) : () -> ()
    %mul3A_14 = arith.constant 640 : i32
    %mul3A_15 = arith.muli %arg1, %mul3A_14 : i32
    %add3A_16 = arith.constant 80 : i32
    %add3A_17 = arith.addi %mul3A_15, %add3A_16 : i32
    %run_scoped3A_18 = arith.constant 0 : i32
    "tpu.region"() ({
      %run_scoped3A_127 = tpu.sem_alloc : memref<!tpu.dma_semaphore, #tpu.memory_space<semaphore_mem>>
      %dma_start3A_128 = arith.constant 0 : i32
      %dma_start3A_129 = arith.constant 0 : i32
      %dma_start3A_130 = tpu.memref_slice %arg8[%run_scoped3A_18, %dma_start3A_128, %dma_start3A_129] : memref<2x80x128xf32, #tpu.memory_space<vmem>> -> memref<1x80x128xf32, #tpu.memory_space<vmem>>
      %dma_start3A_131 = tpu.memref_squeeze %dma_start3A_130 : memref<1x80x128xf32, #tpu.memory_space<vmem>> -> memref<80x128xf32, #tpu.memory_space<vmem>>
      %dma_start3A_132 = arith.constant 0 : i32
      %dma_start3A_133 = tpu.memref_slice %arg11[%add3A_17, %dma_start3A_132] : memref<10240x128xf32, #tpu.memory_space<vmem_shared>> -> memref<80x128xf32, #tpu.memory_space<vmem_shared>>
      %dma_start3A_134 = arith.constant 0 : i32
      %dma_start3A_135 = tpu.memref_slice %arg11[%add3A_17, %dma_start3A_134] : memref<10240x128xf32, #tpu.memory_space<vmem_shared>> -> memref<80x128xf32, #tpu.memory_space<vmem_shared>>
      %dma_start3A_136 = arith.constant 0 : i32
      %dma_start3A_137 = arith.constant 0 : i32
      %dma_start3A_138 = tpu.memref_slice %arg8[%run_scoped3A_18, %dma_start3A_136, %dma_start3A_137] : memref<2x80x128xf32, #tpu.memory_space<vmem>> -> memref<1x80x128xf32, #tpu.memory_space<vmem>>
      %dma_start3A_139 = tpu.memref_squeeze %dma_start3A_138 : memref<1x80x128xf32, #tpu.memory_space<vmem>> -> memref<80x128xf32, #tpu.memory_space<vmem>>
      tpu.enqueue_dma source(%dma_start3A_139 : memref<80x128xf32, #tpu.memory_space<vmem>>) target(%dma_start3A_135 : memref<80x128xf32, #tpu.memory_space<vmem_shared>>) target_semaphore(%run_scoped3A_127 : memref<!tpu.dma_semaphore, #tpu.memory_space<semaphore_mem>>)
      %dma_wait3A_140 = arith.constant 0 : i32
      %dma_wait3A_141 = arith.constant 0 : i32
      %dma_wait3A_142 = tpu.memref_slice %arg8[%run_scoped3A_18, %dma_wait3A_140, %dma_wait3A_141] : memref<2x80x128xf32, #tpu.memory_space<vmem>> -> memref<1x80x128xf32, #tpu.memory_space<vmem>>
      %dma_wait3A_143 = tpu.memref_squeeze %dma_wait3A_142 : memref<1x80x128xf32, #tpu.memory_space<vmem>> -> memref<80x128xf32, #tpu.memory_space<vmem>>
      %dma_wait3A_144 = arith.constant 0 : i32
      %dma_wait3A_145 = tpu.memref_slice %arg11[%add3A_17, %dma_wait3A_144] : memref<10240x128xf32, #tpu.memory_space<vmem_shared>> -> memref<80x128xf32, #tpu.memory_space<vmem_shared>>
      %dma_wait3A_146 = arith.constant 0 : i32
      %dma_wait3A_147 = tpu.memref_slice %arg11[%add3A_17, %dma_wait3A_146] : memref<10240x128xf32, #tpu.memory_space<vmem_shared>> -> memref<80x128xf32, #tpu.memory_space<vmem_shared>>
      %dma_wait3A_148 = arith.constant 0 : i32
      %dma_wait3A_149 = arith.constant 0 : i32
      %dma_wait3A_150 = tpu.memref_slice %arg8[%run_scoped3A_18, %dma_wait3A_148, %dma_wait3A_149] : memref<2x80x128xf32, #tpu.memory_space<vmem>> -> memref<1x80x128xf32, #tpu.memory_space<vmem>>
      %dma_wait3A_151 = tpu.memref_squeeze %dma_wait3A_150 : memref<1x80x128xf32, #tpu.memory_space<vmem>> -> memref<80x128xf32, #tpu.memory_space<vmem>>
      tpu.wait_dma2 semaphore(%run_scoped3A_127 : memref<!tpu.dma_semaphore, #tpu.memory_space<semaphore_mem>>) src(%dma_wait3A_151 : memref<80x128xf32, #tpu.memory_space<vmem>>) dst(%dma_wait3A_147 : memref<80x128xf32, #tpu.memory_space<vmem_shared>>)
      tpu.yield
    }) : () -> ()
    %mul3A_19 = arith.constant 640 : i32
    %mul3A_20 = arith.muli %arg1, %mul3A_19 : i32
    %add3A_21 = arith.constant 160 : i32
    %add3A_22 = arith.addi %mul3A_20, %add3A_21 : i32
    %run_scoped3A_23 = arith.constant 0 : i32
    "tpu.region"() ({
      %run_scoped3A_127 = tpu.sem_alloc : memref<!tpu.dma_semaphore, #tpu.memory_space<semaphore_mem>>
      %dma_start3A_128 = arith.constant 0 : i32
      %dma_start3A_129 = arith.constant 0 : i32
      %dma_start3A_130 = tpu.memref_slice %arg8[%run_scoped3A_23, %dma_start3A_128, %dma_start3A_129] : memref<2x80x128xf32, #tpu.memory_space<vmem>> -> memref<1x80x128xf32, #tpu.memory_space<vmem>>
      %dma_start3A_131 = tpu.memref_squeeze %dma_start3A_130 : memref<1x80x128xf32, #tpu.memory_space<vmem>> -> memref<80x128xf32, #tpu.memory_space<vmem>>
      %dma_start3A_132 = arith.constant 0 : i32
      %dma_start3A_133 = tpu.memref_slice %arg11[%add3A_22, %dma_start3A_132] : memref<10240x128xf32, #tpu.memory_space<vmem_shared>> -> memref<80x128xf32, #tpu.memory_space<vmem_shared>>
      %dma_start3A_134 = arith.constant 0 : i32
      %dma_start3A_135 = tpu.memref_slice %arg11[%add3A_22, %dma_start3A_134] : memref<10240x128xf32, #tpu.memory_space<vmem_shared>> -> memref<80x128xf32, #tpu.memory_space<vmem_shared>>
      %dma_start3A_136 = arith.constant 0 : i32
      %dma_start3A_137 = arith.constant 0 : i32
      %dma_start3A_138 = tpu.memref_slice %arg8[%run_scoped3A_23, %dma_start3A_136, %dma_start3A_137] : memref<2x80x128xf32, #tpu.memory_space<vmem>> -> memref<1x80x128xf32, #tpu.memory_space<vmem>>
      %dma_start3A_139 = tpu.memref_squeeze %dma_start3A_138 : memref<1x80x128xf32, #tpu.memory_space<vmem>> -> memref<80x128xf32, #tpu.memory_space<vmem>>
      tpu.enqueue_dma source(%dma_start3A_139 : memref<80x128xf32, #tpu.memory_space<vmem>>) target(%dma_start3A_135 : memref<80x128xf32, #tpu.memory_space<vmem_shared>>) target_semaphore(%run_scoped3A_127 : memref<!tpu.dma_semaphore, #tpu.memory_space<semaphore_mem>>)
      %dma_wait3A_140 = arith.constant 0 : i32
      %dma_wait3A_141 = arith.constant 0 : i32
      %dma_wait3A_142 = tpu.memref_slice %arg8[%run_scoped3A_23, %dma_wait3A_140, %dma_wait3A_141] : memref<2x80x128xf32, #tpu.memory_space<vmem>> -> memref<1x80x128xf32, #tpu.memory_space<vmem>>
      %dma_wait3A_143 = tpu.memref_squeeze %dma_wait3A_142 : memref<1x80x128xf32, #tpu.memory_space<vmem>> -> memref<80x128xf32, #tpu.memory_space<vmem>>
      %dma_wait3A_144 = arith.constant 0 : i32
      %dma_wait3A_145 = tpu.memref_slice %arg11[%add3A_22, %dma_wait3A_144] : memref<10240x128xf32, #tpu.memory_space<vmem_shared>> -> memref<80x128xf32, #tpu.memory_space<vmem_shared>>
      %dma_wait3A_146 = arith.constant 0 : i32
      %dma_wait3A_147 = tpu.memref_slice %arg11[%add3A_22, %dma_wait3A_146] : memref<10240x128xf32, #tpu.memory_space<vmem_shared>> -> memref<80x128xf32, #tpu.memory_space<vmem_shared>>
      %dma_wait3A_148 = arith.constant 0 : i32
      %dma_wait3A_149 = arith.constant 0 : i32
      %dma_wait3A_150 = tpu.memref_slice %arg8[%run_scoped3A_23, %dma_wait3A_148, %dma_wait3A_149] : memref<2x80x128xf32, #tpu.memory_space<vmem>> -> memref<1x80x128xf32, #tpu.memory_space<vmem>>
      %dma_wait3A_151 = tpu.memref_squeeze %dma_wait3A_150 : memref<1x80x128xf32, #tpu.memory_space<vmem>> -> memref<80x128xf32, #tpu.memory_space<vmem>>
      tpu.wait_dma2 semaphore(%run_scoped3A_127 : memref<!tpu.dma_semaphore, #tpu.memory_space<semaphore_mem>>) src(%dma_wait3A_151 : memref<80x128xf32, #tpu.memory_space<vmem>>) dst(%dma_wait3A_147 : memref<80x128xf32, #tpu.memory_space<vmem_shared>>)
      tpu.yield
    }) : () -> ()
    %mul3A_24 = arith.constant 640 : i32
    %mul3A_25 = arith.muli %arg1, %mul3A_24 : i32
    %add3A_26 = arith.constant 240 : i32
    %add3A_27 = arith.addi %mul3A_25, %add3A_26 : i32
    %run_scoped3A_28 = arith.constant 0 : i32
    "tpu.region"() ({
      %run_scoped3A_127 = tpu.sem_alloc : memref<!tpu.dma_semaphore, #tpu.memory_space<semaphore_mem>>
      %dma_start3A_128 = arith.constant 0 : i32
      %dma_start3A_129 = arith.constant 0 : i32
      %dma_start3A_130 = tpu.memref_slice %arg8[%run_scoped3A_28, %dma_start3A_128, %dma_start3A_129] : memref<2x80x128xf32, #tpu.memory_space<vmem>> -> memref<1x80x128xf32, #tpu.memory_space<vmem>>
      %dma_start3A_131 = tpu.memref_squeeze %dma_start3A_130 : memref<1x80x128xf32, #tpu.memory_space<vmem>> -> memref<80x128xf32, #tpu.memory_space<vmem>>
      %dma_start3A_132 = arith.constant 0 : i32
      %dma_start3A_133 = tpu.memref_slice %arg11[%add3A_27, %dma_start3A_132] : memref<10240x128xf32, #tpu.memory_space<vmem_shared>> -> memref<80x128xf32, #tpu.memory_space<vmem_shared>>
      %dma_start3A_134 = arith.constant 0 : i32
      %dma_start3A_135 = tpu.memref_slice %arg11[%add3A_27, %dma_start3A_134] : memref<10240x128xf32, #tpu.memory_space<vmem_shared>> -> memref<80x128xf32, #tpu.memory_space<vmem_shared>>
      %dma_start3A_136 = arith.constant 0 : i32
      %dma_start3A_137 = arith.constant 0 : i32
      %dma_start3A_138 = tpu.memref_slice %arg8[%run_scoped3A_28, %dma_start3A_136, %dma_start3A_137] : memref<2x80x128xf32, #tpu.memory_space<vmem>> -> memref<1x80x128xf32, #tpu.memory_space<vmem>>
      %dma_start3A_139 = tpu.memref_squeeze %dma_start3A_138 : memref<1x80x128xf32, #tpu.memory_space<vmem>> -> memref<80x128xf32, #tpu.memory_space<vmem>>
      tpu.enqueue_dma source(%dma_start3A_139 : memref<80x128xf32, #tpu.memory_space<vmem>>) target(%dma_start3A_135 : memref<80x128xf32, #tpu.memory_space<vmem_shared>>) target_semaphore(%run_scoped3A_127 : memref<!tpu.dma_semaphore, #tpu.memory_space<semaphore_mem>>)
      %dma_wait3A_140 = arith.constant 0 : i32
      %dma_wait3A_141 = arith.constant 0 : i32
      %dma_wait3A_142 = tpu.memref_slice %arg8[%run_scoped3A_28, %dma_wait3A_140, %dma_wait3A_141] : memref<2x80x128xf32, #tpu.memory_space<vmem>> -> memref<1x80x128xf32, #tpu.memory_space<vmem>>
      %dma_wait3A_143 = tpu.memref_squeeze %dma_wait3A_142 : memref<1x80x128xf32, #tpu.memory_space<vmem>> -> memref<80x128xf32, #tpu.memory_space<vmem>>
      %dma_wait3A_144 = arith.constant 0 : i32
      %dma_wait3A_145 = tpu.memref_slice %arg11[%add3A_27, %dma_wait3A_144] : memref<10240x128xf32, #tpu.memory_space<vmem_shared>> -> memref<80x128xf32, #tpu.memory_space<vmem_shared>>
      %dma_wait3A_146 = arith.constant 0 : i32
      %dma_wait3A_147 = tpu.memref_slice %arg11[%add3A_27, %dma_wait3A_146] : memref<10240x128xf32, #tpu.memory_space<vmem_shared>> -> memref<80x128xf32, #tpu.memory_space<vmem_shared>>
      %dma_wait3A_148 = arith.constant 0 : i32
      %dma_wait3A_149 = arith.constant 0 : i32
      %dma_wait3A_150 = tpu.memref_slice %arg8[%run_scoped3A_28, %dma_wait3A_148, %dma_wait3A_149] : memref<2x80x128xf32, #tpu.memory_space<vmem>> -> memref<1x80x128xf32, #tpu.memory_space<vmem>>
      %dma_wait3A_151 = tpu.memref_squeeze %dma_wait3A_150 : memref<1x80x128xf32, #tpu.memory_space<vmem>> -> memref<80x128xf32, #tpu.memory_space<vmem>>
      tpu.wait_dma2 semaphore(%run_scoped3A_127 : memref<!tpu.dma_semaphore, #tpu.memory_space<semaphore_mem>>) src(%dma_wait3A_151 : memref<80x128xf32, #tpu.memory_space<vmem>>) dst(%dma_wait3A_147 : memref<80x128xf32, #tpu.memory_space<vmem_shared>>)
      tpu.yield
    }) : () -> ()
    %mul3A_29 = arith.constant 640 : i32
    %mul3A_30 = arith.muli %arg1, %mul3A_29 : i32
    %add3A_31 = arith.constant 320 : i32
    %add3A_32 = arith.addi %mul3A_30, %add3A_31 : i32
    %run_scoped3A_33 = arith.constant 0 : i32
    "tpu.region"() ({
      %run_scoped3A_127 = tpu.sem_alloc : memref<!tpu.dma_semaphore, #tpu.memory_space<semaphore_mem>>
      %dma_start3A_128 = arith.constant 0 : i32
      %dma_start3A_129 = arith.constant 0 : i32
      %dma_start3A_130 = tpu.memref_slice %arg8[%run_scoped3A_33, %dma_start3A_128, %dma_start3A_129] : memref<2x80x128xf32, #tpu.memory_space<vmem>> -> memref<1x80x128xf32, #tpu.memory_space<vmem>>
      %dma_start3A_131 = tpu.memref_squeeze %dma_start3A_130 : memref<1x80x128xf32, #tpu.memory_space<vmem>> -> memref<80x128xf32, #tpu.memory_space<vmem>>
      %dma_start3A_132 = arith.constant 0 : i32
      %dma_start3A_133 = tpu.memref_slice %arg11[%add3A_32, %dma_start3A_132] : memref<10240x128xf32, #tpu.memory_space<vmem_shared>> -> memref<80x128xf32, #tpu.memory_space<vmem_shared>>
      %dma_start3A_134 = arith.constant 0 : i32
      %dma_start3A_135 = tpu.memref_slice %arg11[%add3A_32, %dma_start3A_134] : memref<10240x128xf32, #tpu.memory_space<vmem_shared>> -> memref<80x128xf32, #tpu.memory_space<vmem_shared>>
      %dma_start3A_136 = arith.constant 0 : i32
      %dma_start3A_137 = arith.constant 0 : i32
      %dma_start3A_138 = tpu.memref_slice %arg8[%run_scoped3A_33, %dma_start3A_136, %dma_start3A_137] : memref<2x80x128xf32, #tpu.memory_space<vmem>> -> memref<1x80x128xf32, #tpu.memory_space<vmem>>
      %dma_start3A_139 = tpu.memref_squeeze %dma_start3A_138 : memref<1x80x128xf32, #tpu.memory_space<vmem>> -> memref<80x128xf32, #tpu.memory_space<vmem>>
      tpu.enqueue_dma source(%dma_start3A_139 : memref<80x128xf32, #tpu.memory_space<vmem>>) target(%dma_start3A_135 : memref<80x128xf32, #tpu.memory_space<vmem_shared>>) target_semaphore(%run_scoped3A_127 : memref<!tpu.dma_semaphore, #tpu.memory_space<semaphore_mem>>)
      %dma_wait3A_140 = arith.constant 0 : i32
      %dma_wait3A_141 = arith.constant 0 : i32
      %dma_wait3A_142 = tpu.memref_slice %arg8[%run_scoped3A_33, %dma_wait3A_140, %dma_wait3A_141] : memref<2x80x128xf32, #tpu.memory_space<vmem>> -> memref<1x80x128xf32, #tpu.memory_space<vmem>>
      %dma_wait3A_143 = tpu.memref_squeeze %dma_wait3A_142 : memref<1x80x128xf32, #tpu.memory_space<vmem>> -> memref<80x128xf32, #tpu.memory_space<vmem>>
      %dma_wait3A_144 = arith.constant 0 : i32
      %dma_wait3A_145 = tpu.memref_slice %arg11[%add3A_32, %dma_wait3A_144] : memref<10240x128xf32, #tpu.memory_space<vmem_shared>> -> memref<80x128xf32, #tpu.memory_space<vmem_shared>>
      %dma_wait3A_146 = arith.constant 0 : i32
      %dma_wait3A_147 = tpu.memref_slice %arg11[%add3A_32, %dma_wait3A_146] : memref<10240x128xf32, #tpu.memory_space<vmem_shared>> -> memref<80x128xf32, #tpu.memory_space<vmem_shared>>
      %dma_wait3A_148 = arith.constant 0 : i32
      %dma_wait3A_149 = arith.constant 0 : i32
      %dma_wait3A_150 = tpu.memref_slice %arg8[%run_scoped3A_33, %dma_wait3A_148, %dma_wait3A_149] : memref<2x80x128xf32, #tpu.memory_space<vmem>> -> memref<1x80x128xf32, #tpu.memory_space<vmem>>
      %dma_wait3A_151 = tpu.memref_squeeze %dma_wait3A_150 : memref<1x80x128xf32, #tpu.memory_space<vmem>> -> memref<80x128xf32, #tpu.memory_space<vmem>>
      tpu.wait_dma2 semaphore(%run_scoped3A_127 : memref<!tpu.dma_semaphore, #tpu.memory_space<semaphore_mem>>) src(%dma_wait3A_151 : memref<80x128xf32, #tpu.memory_space<vmem>>) dst(%dma_wait3A_147 : memref<80x128xf32, #tpu.memory_space<vmem_shared>>)
      tpu.yield
    }) : () -> ()
    %mul3A_34 = arith.constant 640 : i32
    %mul3A_35 = arith.muli %arg1, %mul3A_34 : i32
    %add3A_36 = arith.constant 400 : i32
    %add3A_37 = arith.addi %mul3A_35, %add3A_36 : i32
    %run_scoped3A_38 = arith.constant 0 : i32
    "tpu.region"() ({
      %run_scoped3A_127 = tpu.sem_alloc : memref<!tpu.dma_semaphore, #tpu.memory_space<semaphore_mem>>
      %dma_start3A_128 = arith.constant 0 : i32
      %dma_start3A_129 = arith.constant 0 : i32
      %dma_start3A_130 = tpu.memref_slice %arg8[%run_scoped3A_38, %dma_start3A_128, %dma_start3A_129] : memref<2x80x128xf32, #tpu.memory_space<vmem>> -> memref<1x80x128xf32, #tpu.memory_space<vmem>>
      %dma_start3A_131 = tpu.memref_squeeze %dma_start3A_130 : memref<1x80x128xf32, #tpu.memory_space<vmem>> -> memref<80x128xf32, #tpu.memory_space<vmem>>
      %dma_start3A_132 = arith.constant 0 : i32
      %dma_start3A_133 = tpu.memref_slice %arg11[%add3A_37, %dma_start3A_132] : memref<10240x128xf32, #tpu.memory_space<vmem_shared>> -> memref<80x128xf32, #tpu.memory_space<vmem_shared>>
      %dma_start3A_134 = arith.constant 0 : i32
      %dma_start3A_135 = tpu.memref_slice %arg11[%add3A_37, %dma_start3A_134] : memref<10240x128xf32, #tpu.memory_space<vmem_shared>> -> memref<80x128xf32, #tpu.memory_space<vmem_shared>>
      %dma_start3A_136 = arith.constant 0 : i32
      %dma_start3A_137 = arith.constant 0 : i32
      %dma_start3A_138 = tpu.memref_slice %arg8[%run_scoped3A_38, %dma_start3A_136, %dma_start3A_137] : memref<2x80x128xf32, #tpu.memory_space<vmem>> -> memref<1x80x128xf32, #tpu.memory_space<vmem>>
      %dma_start3A_139 = tpu.memref_squeeze %dma_start3A_138 : memref<1x80x128xf32, #tpu.memory_space<vmem>> -> memref<80x128xf32, #tpu.memory_space<vmem>>
      tpu.enqueue_dma source(%dma_start3A_139 : memref<80x128xf32, #tpu.memory_space<vmem>>) target(%dma_start3A_135 : memref<80x128xf32, #tpu.memory_space<vmem_shared>>) target_semaphore(%run_scoped3A_127 : memref<!tpu.dma_semaphore, #tpu.memory_space<semaphore_mem>>)
      %dma_wait3A_140 = arith.constant 0 : i32
      %dma_wait3A_141 = arith.constant 0 : i32
      %dma_wait3A_142 = tpu.memref_slice %arg8[%run_scoped3A_38, %dma_wait3A_140, %dma_wait3A_141] : memref<2x80x128xf32, #tpu.memory_space<vmem>> -> memref<1x80x128xf32, #tpu.memory_space<vmem>>
      %dma_wait3A_143 = tpu.memref_squeeze %dma_wait3A_142 : memref<1x80x128xf32, #tpu.memory_space<vmem>> -> memref<80x128xf32, #tpu.memory_space<vmem>>
      %dma_wait3A_144 = arith.constant 0 : i32
      %dma_wait3A_145 = tpu.memref_slice %arg11[%add3A_37, %dma_wait3A_144] : memref<10240x128xf32, #tpu.memory_space<vmem_shared>> -> memref<80x128xf32, #tpu.memory_space<vmem_shared>>
      %dma_wait3A_146 = arith.constant 0 : i32
      %dma_wait3A_147 = tpu.memref_slice %arg11[%add3A_37, %dma_wait3A_146] : memref<10240x128xf32, #tpu.memory_space<vmem_shared>> -> memref<80x128xf32, #tpu.memory_space<vmem_shared>>
      %dma_wait3A_148 = arith.constant 0 : i32
      %dma_wait3A_149 = arith.constant 0 : i32
      %dma_wait3A_150 = tpu.memref_slice %arg8[%run_scoped3A_38, %dma_wait3A_148, %dma_wait3A_149] : memref<2x80x128xf32, #tpu.memory_space<vmem>> -> memref<1x80x128xf32, #tpu.memory_space<vmem>>
      %dma_wait3A_151 = tpu.memref_squeeze %dma_wait3A_150 : memref<1x80x128xf32, #tpu.memory_space<vmem>> -> memref<80x128xf32, #tpu.memory_space<vmem>>
      tpu.wait_dma2 semaphore(%run_scoped3A_127 : memref<!tpu.dma_semaphore, #tpu.memory_space<semaphore_mem>>) src(%dma_wait3A_151 : memref<80x128xf32, #tpu.memory_space<vmem>>) dst(%dma_wait3A_147 : memref<80x128xf32, #tpu.memory_space<vmem_shared>>)
      tpu.yield
    }) : () -> ()
    %mul3A_39 = arith.constant 640 : i32
    %mul3A_40 = arith.muli %arg1, %mul3A_39 : i32
    %add3A_41 = arith.constant 480 : i32
    %add3A_42 = arith.addi %mul3A_40, %add3A_41 : i32
    %run_scoped3A_43 = arith.constant 0 : i32
    "tpu.region"() ({
      %run_scoped3A_127 = tpu.sem_alloc : memref<!tpu.dma_semaphore, #tpu.memory_space<semaphore_mem>>
      %dma_start3A_128 = arith.constant 0 : i32
      %dma_start3A_129 = arith.constant 0 : i32
      %dma_start3A_130 = tpu.memref_slice %arg8[%run_scoped3A_43, %dma_start3A_128, %dma_start3A_129] : memref<2x80x128xf32, #tpu.memory_space<vmem>> -> memref<1x80x128xf32, #tpu.memory_space<vmem>>
      %dma_start3A_131 = tpu.memref_squeeze %dma_start3A_130 : memref<1x80x128xf32, #tpu.memory_space<vmem>> -> memref<80x128xf32, #tpu.memory_space<vmem>>
      %dma_start3A_132 = arith.constant 0 : i32
      %dma_start3A_133 = tpu.memref_slice %arg11[%add3A_42, %dma_start3A_132] : memref<10240x128xf32, #tpu.memory_space<vmem_shared>> -> memref<80x128xf32, #tpu.memory_space<vmem_shared>>
      %dma_start3A_134 = arith.constant 0 : i32
      %dma_start3A_135 = tpu.memref_slice %arg11[%add3A_42, %dma_start3A_134] : memref<10240x128xf32, #tpu.memory_space<vmem_shared>> -> memref<80x128xf32, #tpu.memory_space<vmem_shared>>
      %dma_start3A_136 = arith.constant 0 : i32
      %dma_start3A_137 = arith.constant 0 : i32
      %dma_start3A_138 = tpu.memref_slice %arg8[%run_scoped3A_43, %dma_start3A_136, %dma_start3A_137] : memref<2x80x128xf32, #tpu.memory_space<vmem>> -> memref<1x80x128xf32, #tpu.memory_space<vmem>>
      %dma_start3A_139 = tpu.memref_squeeze %dma_start3A_138 : memref<1x80x128xf32, #tpu.memory_space<vmem>> -> memref<80x128xf32, #tpu.memory_space<vmem>>
      tpu.enqueue_dma source(%dma_start3A_139 : memref<80x128xf32, #tpu.memory_space<vmem>>) target(%dma_start3A_135 : memref<80x128xf32, #tpu.memory_space<vmem_shared>>) target_semaphore(%run_scoped3A_127 : memref<!tpu.dma_semaphore, #tpu.memory_space<semaphore_mem>>)
      %dma_wait3A_140 = arith.constant 0 : i32
      %dma_wait3A_141 = arith.constant 0 : i32
      %dma_wait3A_142 = tpu.memref_slice %arg8[%run_scoped3A_43, %dma_wait3A_140, %dma_wait3A_141] : memref<2x80x128xf32, #tpu.memory_space<vmem>> -> memref<1x80x128xf32, #tpu.memory_space<vmem>>
      %dma_wait3A_143 = tpu.memref_squeeze %dma_wait3A_142 : memref<1x80x128xf32, #tpu.memory_space<vmem>> -> memref<80x128xf32, #tpu.memory_space<vmem>>
      %dma_wait3A_144 = arith.constant 0 : i32
      %dma_wait3A_145 = tpu.memref_slice %arg11[%add3A_42, %dma_wait3A_144] : memref<10240x128xf32, #tpu.memory_space<vmem_shared>> -> memref<80x128xf32, #tpu.memory_space<vmem_shared>>
      %dma_wait3A_146 = arith.constant 0 : i32
      %dma_wait3A_147 = tpu.memref_slice %arg11[%add3A_42, %dma_wait3A_146] : memref<10240x128xf32, #tpu.memory_space<vmem_shared>> -> memref<80x128xf32, #tpu.memory_space<vmem_shared>>
      %dma_wait3A_148 = arith.constant 0 : i32
      %dma_wait3A_149 = arith.constant 0 : i32
      %dma_wait3A_150 = tpu.memref_slice %arg8[%run_scoped3A_43, %dma_wait3A_148, %dma_wait3A_149] : memref<2x80x128xf32, #tpu.memory_space<vmem>> -> memref<1x80x128xf32, #tpu.memory_space<vmem>>
      %dma_wait3A_151 = tpu.memref_squeeze %dma_wait3A_150 : memref<1x80x128xf32, #tpu.memory_space<vmem>> -> memref<80x128xf32, #tpu.memory_space<vmem>>
      tpu.wait_dma2 semaphore(%run_scoped3A_127 : memref<!tpu.dma_semaphore, #tpu.memory_space<semaphore_mem>>) src(%dma_wait3A_151 : memref<80x128xf32, #tpu.memory_space<vmem>>) dst(%dma_wait3A_147 : memref<80x128xf32, #tpu.memory_space<vmem_shared>>)
      tpu.yield
    }) : () -> ()
    %mul3A_44 = arith.constant 640 : i32
    %mul3A_45 = arith.muli %arg1, %mul3A_44 : i32
    %add3A_46 = arith.constant 560 : i32
    %add3A_47 = arith.addi %mul3A_45, %add3A_46 : i32
    %run_scoped3A_48 = arith.constant 0 : i32
    "tpu.region"() ({
      %run_scoped3A_127 = tpu.sem_alloc : memref<!tpu.dma_semaphore, #tpu.memory_space<semaphore_mem>>
      %dma_start3A_128 = arith.constant 0 : i32
      %dma_start3A_129 = arith.constant 0 : i32
      %dma_start3A_130 = tpu.memref_slice %arg8[%run_scoped3A_48, %dma_start3A_128, %dma_start3A_129] : memref<2x80x128xf32, #tpu.memory_space<vmem>> -> memref<1x80x128xf32, #tpu.memory_space<vmem>>
      %dma_start3A_131 = tpu.memref_squeeze %dma_start3A_130 : memref<1x80x128xf32, #tpu.memory_space<vmem>> -> memref<80x128xf32, #tpu.memory_space<vmem>>
      %dma_start3A_132 = arith.constant 0 : i32
      %dma_start3A_133 = tpu.memref_slice %arg11[%add3A_47, %dma_start3A_132] : memref<10240x128xf32, #tpu.memory_space<vmem_shared>> -> memref<80x128xf32, #tpu.memory_space<vmem_shared>>
      %dma_start3A_134 = arith.constant 0 : i32
      %dma_start3A_135 = tpu.memref_slice %arg11[%add3A_47, %dma_start3A_134] : memref<10240x128xf32, #tpu.memory_space<vmem_shared>> -> memref<80x128xf32, #tpu.memory_space<vmem_shared>>
      %dma_start3A_136 = arith.constant 0 : i32
      %dma_start3A_137 = arith.constant 0 : i32
      %dma_start3A_138 = tpu.memref_slice %arg8[%run_scoped3A_48, %dma_start3A_136, %dma_start3A_137] : memref<2x80x128xf32, #tpu.memory_space<vmem>> -> memref<1x80x128xf32, #tpu.memory_space<vmem>>
      %dma_start3A_139 = tpu.memref_squeeze %dma_start3A_138 : memref<1x80x128xf32, #tpu.memory_space<vmem>> -> memref<80x128xf32, #tpu.memory_space<vmem>>
      tpu.enqueue_dma source(%dma_start3A_139 : memref<80x128xf32, #tpu.memory_space<vmem>>) target(%dma_start3A_135 : memref<80x128xf32, #tpu.memory_space<vmem_shared>>) target_semaphore(%run_scoped3A_127 : memref<!tpu.dma_semaphore, #tpu.memory_space<semaphore_mem>>)
      %dma_wait3A_140 = arith.constant 0 : i32
      %dma_wait3A_141 = arith.constant 0 : i32
      %dma_wait3A_142 = tpu.memref_slice %arg8[%run_scoped3A_48, %dma_wait3A_140, %dma_wait3A_141] : memref<2x80x128xf32, #tpu.memory_space<vmem>> -> memref<1x80x128xf32, #tpu.memory_space<vmem>>
      %dma_wait3A_143 = tpu.memref_squeeze %dma_wait3A_142 : memref<1x80x128xf32, #tpu.memory_space<vmem>> -> memref<80x128xf32, #tpu.memory_space<vmem>>
      %dma_wait3A_144 = arith.constant 0 : i32
      %dma_wait3A_145 = tpu.memref_slice %arg11[%add3A_47, %dma_wait3A_144] : memref<10240x128xf32, #tpu.memory_space<vmem_shared>> -> memref<80x128xf32, #tpu.memory_space<vmem_shared>>
      %dma_wait3A_146 = arith.constant 0 : i32
      %dma_wait3A_147 = tpu.memref_slice %arg11[%add3A_47, %dma_wait3A_146] : memref<10240x128xf32, #tpu.memory_space<vmem_shared>> -> memref<80x128xf32, #tpu.memory_space<vmem_shared>>
      %dma_wait3A_148 = arith.constant 0 : i32
      %dma_wait3A_149 = arith.constant 0 : i32
      %dma_wait3A_150 = tpu.memref_slice %arg8[%run_scoped3A_48, %dma_wait3A_148, %dma_wait3A_149] : memref<2x80x128xf32, #tpu.memory_space<vmem>> -> memref<1x80x128xf32, #tpu.memory_space<vmem>>
      %dma_wait3A_151 = tpu.memref_squeeze %dma_wait3A_150 : memref<1x80x128xf32, #tpu.memory_space<vmem>> -> memref<80x128xf32, #tpu.memory_space<vmem>>
      tpu.wait_dma2 semaphore(%run_scoped3A_127 : memref<!tpu.dma_semaphore, #tpu.memory_space<semaphore_mem>>) src(%dma_wait3A_151 : memref<80x128xf32, #tpu.memory_space<vmem>>) dst(%dma_wait3A_147 : memref<80x128xf32, #tpu.memory_space<vmem_shared>>)
      tpu.yield
    }) : () -> ()
    %barrier3A = arith.constant 0 : index
    tpu.barrier barrier_id(%barrier3A)
    %dma_start3A = arith.constant 0 : i32
    %dma_start3A_49 = arith.constant 0 : i32
    %dma_start3A_50 = arith.constant 0 : i32
    %dma_start3A_51 = arith.constant 0 : i32
    %dma_start3A_52 = tpu.memref_slice %arg8[%dma_start3A, %dma_start3A_50, %dma_start3A_51] : memref<2x80x128xf32, #tpu.memory_space<vmem>> -> memref<1x80x128xf32, #tpu.memory_space<vmem>>
    %dma_start3A_53 = tpu.memref_squeeze %dma_start3A_52 : memref<1x80x128xf32, #tpu.memory_space<vmem>> -> memref<80x128xf32, #tpu.memory_space<vmem>>
    %dma_start3A_54 = arith.constant 0 : i32
    %dma_start3A_55 = tpu.memref_slice %arg6[%dma_start3A_54] : memref<10000xi32, #tpu.memory_space<vmem>> -> memref<80xi32, #tpu.memory_space<vmem>>
    %dma_start3A_56 = arith.constant 0 : i32
    %dma_start3A_57 = arith.constant 0 : i32
    %dma_start3A_58 = tpu.memref_slice %arg2[%dma_start3A_56, %dma_start3A_57] : memref<10240x128xf32, #tpu.memory_space<hbm>> -> memref<10240x128xf32, #tpu.memory_space<hbm>>
    %dma_start3A_59 = tpu.memref_slice %arg9[%dma_start3A_49] : memref<2x!tpu.dma_semaphore, #tpu.memory_space<semaphore_mem>> -> memref<1x!tpu.dma_semaphore, #tpu.memory_space<semaphore_mem>>
    %dma_start3A_60 = tpu.memref_squeeze %dma_start3A_59 : memref<1x!tpu.dma_semaphore, #tpu.memory_space<semaphore_mem>> -> memref<!tpu.dma_semaphore, #tpu.memory_space<semaphore_mem>>
    tpu.enqueue_indirect_dma source(%dma_start3A_58 : memref<10240x128xf32, #tpu.memory_space<hbm>>) target(%dma_start3A_53 : memref<80x128xf32, #tpu.memory_space<vmem>>) offsets(%dma_start3A_55 : memref<80xi32, #tpu.memory_space<vmem>>) semaphore(%dma_start3A_60 : memref<!tpu.dma_semaphore, #tpu.memory_space<semaphore_mem>>)
    %dma_start3A_61 = arith.constant 1 : i32
    %dma_start3A_62 = arith.constant 1 : i32
    %dma_start3A_63 = arith.constant 0 : i32
    %dma_start3A_64 = arith.constant 0 : i32
    %dma_start3A_65 = tpu.memref_slice %arg8[%dma_start3A_61, %dma_start3A_63, %dma_start3A_64] : memref<2x80x128xf32, #tpu.memory_space<vmem>> -> memref<1x80x128xf32, #tpu.memory_space<vmem>>
    %dma_start3A_66 = tpu.memref_squeeze %dma_start3A_65 : memref<1x80x128xf32, #tpu.memory_space<vmem>> -> memref<80x128xf32, #tpu.memory_space<vmem>>
    %dma_start3A_67 = arith.constant 80 : i32
    %dma_start3A_68 = tpu.memref_slice %arg6[%dma_start3A_67] : memref<10000xi32, #tpu.memory_space<vmem>> -> memref<80xi32, #tpu.memory_space<vmem>>
    %dma_start3A_69 = arith.constant 0 : i32
    %dma_start3A_70 = arith.constant 0 : i32
    %dma_start3A_71 = tpu.memref_slice %arg2[%dma_start3A_69, %dma_start3A_70] : memref<10240x128xf32, #tpu.memory_space<hbm>> -> memref<10240x128xf32, #tpu.memory_space<hbm>>
    %dma_start3A_72 = tpu.memref_slice %arg9[%dma_start3A_62] : memref<2x!tpu.dma_semaphore, #tpu.memory_space<semaphore_mem>> -> memref<1x!tpu.dma_semaphore, #tpu.memory_space<semaphore_mem>>
    %dma_start3A_73 = tpu.memref_squeeze %dma_start3A_72 : memref<1x!tpu.dma_semaphore, #tpu.memory_space<semaphore_mem>> -> memref<!tpu.dma_semaphore, #tpu.memory_space<semaphore_mem>>
    tpu.enqueue_indirect_dma source(%dma_start3A_71 : memref<10240x128xf32, #tpu.memory_space<hbm>>) target(%dma_start3A_66 : memref<80x128xf32, #tpu.memory_space<vmem>>) offsets(%dma_start3A_68 : memref<80xi32, #tpu.memory_space<vmem>>) semaphore(%dma_start3A_73 : memref<!tpu.dma_semaphore, #tpu.memory_space<semaphore_mem>>)
    %scan3A_74 = arith.constant 0 : i32
    %scan3A_75 = arith.constant 0 : i32
    %scan3A_76 = arith.constant 62 : i32
    %scan3A_77 = arith.addi %scan3A_75, %scan3A_76 : i32
    %scan3A_78 = arith.constant 1 : i32
    scf.for %scan3A_127 = %scan3A_75 to %scan3A_77 step %scan3A_78  : i32 {
      %mul3A_128 = arith.constant 2 : i32
      %mul3A_129 = arith.muli %scan3A_127, %mul3A_128 : i32
      %add3A_130 = arith.constant 0 : i32
      %add3A_131 = arith.addi %mul3A_129, %add3A_130 : i32
      %mul3A_132 = arith.constant 80 : i32
      %mul3A_133 = arith.muli %add3A_131, %mul3A_132 : i32
      %dma_wait3A_134 = arith.constant 0 : i32
      %dma_wait3A_135 = arith.constant 0 : i32
      %dma_wait3A_136 = arith.constant 0 : i32
      %dma_wait3A_137 = arith.constant 0 : i32
      %dma_wait3A_138 = tpu.memref_slice %arg8[%dma_wait3A_134, %dma_wait3A_136, %dma_wait3A_137] : memref<2x80x128xf32, #tpu.memory_space<vmem>> -> memref<1x80x128xf32, #tpu.memory_space<vmem>>
      %dma_wait3A_139 = tpu.memref_squeeze %dma_wait3A_138 : memref<1x80x128xf32, #tpu.memory_space<vmem>> -> memref<80x128xf32, #tpu.memory_space<vmem>>
      %dma_wait3A_140 = tpu.memref_slice %arg6[%mul3A_133] : memref<10000xi32, #tpu.memory_space<vmem>> -> memref<80xi32, #tpu.memory_space<vmem>>
      %dma_wait3A_141 = arith.constant 0 : i32
      %dma_wait3A_142 = arith.constant 0 : i32
      %dma_wait3A_143 = tpu.memref_slice %arg2[%dma_wait3A_141, %dma_wait3A_142] : memref<10240x128xf32, #tpu.memory_space<hbm>> -> memref<10240x128xf32, #tpu.memory_space<hbm>>
      %dma_wait3A_144 = tpu.memref_slice %arg9[%dma_wait3A_135] : memref<2x!tpu.dma_semaphore, #tpu.memory_space<semaphore_mem>> -> memref<1x!tpu.dma_semaphore, #tpu.memory_space<semaphore_mem>>
      %dma_wait3A_145 = tpu.memref_squeeze %dma_wait3A_144 : memref<1x!tpu.dma_semaphore, #tpu.memory_space<semaphore_mem>> -> memref<!tpu.dma_semaphore, #tpu.memory_space<semaphore_mem>>
      tpu.wait_indirect_dma semaphore(%dma_wait3A_145 : memref<!tpu.dma_semaphore, #tpu.memory_space<semaphore_mem>>) src(%dma_wait3A_143 : memref<10240x128xf32, #tpu.memory_space<hbm>>) dst(%dma_wait3A_139 : memref<80x128xf32, #tpu.memory_space<vmem>>)
      %dma_start3A_146 = arith.constant 0 : i32
      %dma_start3A_147 = arith.constant 0 : i32
      %dma_start3A_148 = arith.constant 0 : i32
      %dma_start3A_149 = arith.constant 0 : i32
      %dma_start3A_150 = tpu.memref_slice %arg8[%dma_start3A_146, %dma_start3A_148, %dma_start3A_149] : memref<2x80x128xf32, #tpu.memory_space<vmem>> -> memref<1x80x128xf32, #tpu.memory_space<vmem>>
      %dma_start3A_151 = tpu.memref_squeeze %dma_start3A_150 : memref<1x80x128xf32, #tpu.memory_space<vmem>> -> memref<80x128xf32, #tpu.memory_space<vmem>>
      %dma_start3A_152 = arith.constant 0 : i32
      %dma_start3A_153 = tpu.memref_slice %arg7[%add3A_131, %dma_start3A_152] : memref<125x80xi32, #tpu.memory_space<vmem>> -> memref<1x80xi32, #tpu.memory_space<vmem>>
      %dma_start3A_154 = tpu.memref_squeeze %dma_start3A_153 : memref<1x80xi32, #tpu.memory_space<vmem>> -> memref<80xi32, #tpu.memory_space<vmem>>
      %dma_start3A_155 = arith.constant 0 : i32
      %dma_start3A_156 = arith.constant 0 : i32
      %dma_start3A_157 = tpu.memref_slice %arg11[%dma_start3A_155, %dma_start3A_156] : memref<10240x128xf32, #tpu.memory_space<vmem_shared>> -> memref<10240x128xf32, #tpu.memory_space<vmem_shared>>
      %dma_start3A_158 = tpu.memref_slice %arg10[%dma_start3A_147] : memref<2x!tpu.dma_semaphore, #tpu.memory_space<semaphore_mem>> -> memref<1x!tpu.dma_semaphore, #tpu.memory_space<semaphore_mem>>
      %dma_start3A_159 = tpu.memref_squeeze %dma_start3A_158 : memref<1x!tpu.dma_semaphore, #tpu.memory_space<semaphore_mem>> -> memref<!tpu.dma_semaphore, #tpu.memory_space<semaphore_mem>>
      tpu.enqueue_indirect_dma source(%dma_start3A_151 : memref<80x128xf32, #tpu.memory_space<vmem>>) target(%dma_start3A_157 : memref<10240x128xf32, #tpu.memory_space<vmem_shared>>) offsets(%dma_start3A_154 : memref<80xi32, #tpu.memory_space<vmem>>) semaphore(%dma_start3A_159 : memref<!tpu.dma_semaphore, #tpu.memory_space<semaphore_mem>>) {add = true}
      %dma_wait3A_160 = arith.constant 0 : i32
      %dma_wait3A_161 = arith.constant 0 : i32
      %dma_wait3A_162 = arith.constant 0 : i32
      %dma_wait3A_163 = arith.constant 0 : i32
      %dma_wait3A_164 = tpu.memref_slice %arg8[%dma_wait3A_160, %dma_wait3A_162, %dma_wait3A_163] : memref<2x80x128xf32, #tpu.memory_space<vmem>> -> memref<1x80x128xf32, #tpu.memory_space<vmem>>
      %dma_wait3A_165 = tpu.memref_squeeze %dma_wait3A_164 : memref<1x80x128xf32, #tpu.memory_space<vmem>> -> memref<80x128xf32, #tpu.memory_space<vmem>>
      %dma_wait3A_166 = arith.constant 0 : i32
      %dma_wait3A_167 = tpu.memref_slice %arg7[%add3A_131, %dma_wait3A_166] : memref<125x80xi32, #tpu.memory_space<vmem>> -> memref<1x80xi32, #tpu.memory_space<vmem>>
      %dma_wait3A_168 = tpu.memref_squeeze %dma_wait3A_167 : memref<1x80xi32, #tpu.memory_space<vmem>> -> memref<80xi32, #tpu.memory_space<vmem>>
      %dma_wait3A_169 = arith.constant 0 : i32
      %dma_wait3A_170 = arith.constant 0 : i32
      %dma_wait3A_171 = tpu.memref_slice %arg11[%dma_wait3A_169, %dma_wait3A_170] : memref<10240x128xf32, #tpu.memory_space<vmem_shared>> -> memref<10240x128xf32, #tpu.memory_space<vmem_shared>>
      %dma_wait3A_172 = tpu.memref_slice %arg10[%dma_wait3A_161] : memref<2x!tpu.dma_semaphore, #tpu.memory_space<semaphore_mem>> -> memref<1x!tpu.dma_semaphore, #tpu.memory_space<semaphore_mem>>
      %dma_wait3A_173 = tpu.memref_squeeze %dma_wait3A_172 : memref<1x!tpu.dma_semaphore, #tpu.memory_space<semaphore_mem>> -> memref<!tpu.dma_semaphore, #tpu.memory_space<semaphore_mem>>
      tpu.wait_indirect_dma semaphore(%dma_wait3A_173 : memref<!tpu.dma_semaphore, #tpu.memory_space<semaphore_mem>>) src(%dma_wait3A_165 : memref<80x128xf32, #tpu.memory_space<vmem>>) dst(%dma_wait3A_171 : memref<10240x128xf32, #tpu.memory_space<vmem_shared>>)
      %add3A_174 = arith.constant 2 : i32
      %add3A_175 = arith.addi %add3A_131, %add3A_174 : i32
      %lt3A = arith.constant 125 : i32
      %lt3A_176 = arith.cmpi slt, %add3A_175, %lt3A : i32
      %convert_element_type3A = arith.extui %lt3A_176 : i1 to i32
      %cond3A = arith.constant 0 : i32
      %cond3A_177 = arith.cmpi ne, %convert_element_type3A, %cond3A : i32
      scf.if %cond3A_177 {
        %add3A_231 = arith.constant 2 : i32
        %add3A_232 = arith.addi %add3A_131, %add3A_231 : i32
        %mul3A_233 = arith.constant 80 : i32
        %mul3A_234 = arith.muli %add3A_232, %mul3A_233 : i32
        %dma_start3A_235 = arith.constant 0 : i32
        %dma_start3A_236 = arith.constant 0 : i32
        %dma_start3A_237 = arith.constant 0 : i32
        %dma_start3A_238 = arith.constant 0 : i32
        %dma_start3A_239 = tpu.memref_slice %arg8[%dma_start3A_235, %dma_start3A_237, %dma_start3A_238] : memref<2x80x128xf32, #tpu.memory_space<vmem>> -> memref<1x80x128xf32, #tpu.memory_space<vmem>>
        %dma_start3A_240 = tpu.memref_squeeze %dma_start3A_239 : memref<1x80x128xf32, #tpu.memory_space<vmem>> -> memref<80x128xf32, #tpu.memory_space<vmem>>
        %dma_start3A_241 = tpu.memref_slice %arg6[%mul3A_234] : memref<10000xi32, #tpu.memory_space<vmem>> -> memref<80xi32, #tpu.memory_space<vmem>>
        %dma_start3A_242 = arith.constant 0 : i32
        %dma_start3A_243 = arith.constant 0 : i32
        %dma_start3A_244 = tpu.memref_slice %arg2[%dma_start3A_242, %dma_start3A_243] : memref<10240x128xf32, #tpu.memory_space<hbm>> -> memref<10240x128xf32, #tpu.memory_space<hbm>>
        %dma_start3A_245 = tpu.memref_slice %arg9[%dma_start3A_236] : memref<2x!tpu.dma_semaphore, #tpu.memory_space<semaphore_mem>> -> memref<1x!tpu.dma_semaphore, #tpu.memory_space<semaphore_mem>>
        %dma_start3A_246 = tpu.memref_squeeze %dma_start3A_245 : memref<1x!tpu.dma_semaphore, #tpu.memory_space<semaphore_mem>> -> memref<!tpu.dma_semaphore, #tpu.memory_space<semaphore_mem>>
        tpu.enqueue_indirect_dma source(%dma_start3A_244 : memref<10240x128xf32, #tpu.memory_space<hbm>>) target(%dma_start3A_240 : memref<80x128xf32, #tpu.memory_space<vmem>>) offsets(%dma_start3A_241 : memref<80xi32, #tpu.memory_space<vmem>>) semaphore(%dma_start3A_246 : memref<!tpu.dma_semaphore, #tpu.memory_space<semaphore_mem>>)
      } else {
      }
      %mul3A_178 = arith.constant 2 : i32
      %mul3A_179 = arith.muli %scan3A_127, %mul3A_178 : i32
      %add3A_180 = arith.constant 1 : i32
      %add3A_181 = arith.addi %mul3A_179, %add3A_180 : i32
      %mul3A_182 = arith.constant 80 : i32
      %mul3A_183 = arith.muli %add3A_181, %mul3A_182 : i32
      %dma_wait3A_184 = arith.constant 1 : i32
      %dma_wait3A_185 = arith.constant 1 : i32
      %dma_wait3A_186 = arith.constant 0 : i32
      %dma_wait3A_187 = arith.constant 0 : i32
      %dma_wait3A_188 = tpu.memref_slice %arg8[%dma_wait3A_184, %dma_wait3A_186, %dma_wait3A_187] : memref<2x80x128xf32, #tpu.memory_space<vmem>> -> memref<1x80x128xf32, #tpu.memory_space<vmem>>
      %dma_wait3A_189 = tpu.memref_squeeze %dma_wait3A_188 : memref<1x80x128xf32, #tpu.memory_space<vmem>> -> memref<80x128xf32, #tpu.memory_space<vmem>>
      %dma_wait3A_190 = tpu.memref_slice %arg6[%mul3A_183] : memref<10000xi32, #tpu.memory_space<vmem>> -> memref<80xi32, #tpu.memory_space<vmem>>
      %dma_wait3A_191 = arith.constant 0 : i32
      %dma_wait3A_192 = arith.constant 0 : i32
      %dma_wait3A_193 = tpu.memref_slice %arg2[%dma_wait3A_191, %dma_wait3A_192] : memref<10240x128xf32, #tpu.memory_space<hbm>> -> memref<10240x128xf32, #tpu.memory_space<hbm>>
      %dma_wait3A_194 = tpu.memref_slice %arg9[%dma_wait3A_185] : memref<2x!tpu.dma_semaphore, #tpu.memory_space<semaphore_mem>> -> memref<1x!tpu.dma_semaphore, #tpu.memory_space<semaphore_mem>>
      %dma_wait3A_195 = tpu.memref_squeeze %dma_wait3A_194 : memref<1x!tpu.dma_semaphore, #tpu.memory_space<semaphore_mem>> -> memref<!tpu.dma_semaphore, #tpu.memory_space<semaphore_mem>>
      tpu.wait_indirect_dma semaphore(%dma_wait3A_195 : memref<!tpu.dma_semaphore, #tpu.memory_space<semaphore_mem>>) src(%dma_wait3A_193 : memref<10240x128xf32, #tpu.memory_space<hbm>>) dst(%dma_wait3A_189 : memref<80x128xf32, #tpu.memory_space<vmem>>)
      %dma_start3A_196 = arith.constant 1 : i32
      %dma_start3A_197 = arith.constant 1 : i32
      %dma_start3A_198 = arith.constant 0 : i32
      %dma_start3A_199 = arith.constant 0 : i32
      %dma_start3A_200 = tpu.memref_slice %arg8[%dma_start3A_196, %dma_start3A_198, %dma_start3A_199] : memref<2x80x128xf32, #tpu.memory_space<vmem>> -> memref<1x80x128xf32, #tpu.memory_space<vmem>>
      %dma_start3A_201 = tpu.memref_squeeze %dma_start3A_200 : memref<1x80x128xf32, #tpu.memory_space<vmem>> -> memref<80x128xf32, #tpu.memory_space<vmem>>
      %dma_start3A_202 = arith.constant 0 : i32
      %dma_start3A_203 = tpu.memref_slice %arg7[%add3A_181, %dma_start3A_202] : memref<125x80xi32, #tpu.memory_space<vmem>> -> memref<1x80xi32, #tpu.memory_space<vmem>>
      %dma_start3A_204 = tpu.memref_squeeze %dma_start3A_203 : memref<1x80xi32, #tpu.memory_space<vmem>> -> memref<80xi32, #tpu.memory_space<vmem>>
      %dma_start3A_205 = arith.constant 0 : i32
      %dma_start3A_206 = arith.constant 0 : i32
      %dma_start3A_207 = tpu.memref_slice %arg11[%dma_start3A_205, %dma_start3A_206] : memref<10240x128xf32, #tpu.memory_space<vmem_shared>> -> memref<10240x128xf32, #tpu.memory_space<vmem_shared>>
      %dma_start3A_208 = tpu.memref_slice %arg10[%dma_start3A_197] : memref<2x!tpu.dma_semaphore, #tpu.memory_space<semaphore_mem>> -> memref<1x!tpu.dma_semaphore, #tpu.memory_space<semaphore_mem>>
      %dma_start3A_209 = tpu.memref_squeeze %dma_start3A_208 : memref<1x!tpu.dma_semaphore, #tpu.memory_space<semaphore_mem>> -> memref<!tpu.dma_semaphore, #tpu.memory_space<semaphore_mem>>
      tpu.enqueue_indirect_dma source(%dma_start3A_201 : memref<80x128xf32, #tpu.memory_space<vmem>>) target(%dma_start3A_207 : memref<10240x128xf32, #tpu.memory_space<vmem_shared>>) offsets(%dma_start3A_204 : memref<80xi32, #tpu.memory_space<vmem>>) semaphore(%dma_start3A_209 : memref<!tpu.dma_semaphore, #tpu.memory_space<semaphore_mem>>) {add = true}
      %dma_wait3A_210 = arith.constant 1 : i32
      %dma_wait3A_211 = arith.constant 1 : i32
      %dma_wait3A_212 = arith.constant 0 : i32
      %dma_wait3A_213 = arith.constant 0 : i32
      %dma_wait3A_214 = tpu.memref_slice %arg8[%dma_wait3A_210, %dma_wait3A_212, %dma_wait3A_213] : memref<2x80x128xf32, #tpu.memory_space<vmem>> -> memref<1x80x128xf32, #tpu.memory_space<vmem>>
      %dma_wait3A_215 = tpu.memref_squeeze %dma_wait3A_214 : memref<1x80x128xf32, #tpu.memory_space<vmem>> -> memref<80x128xf32, #tpu.memory_space<vmem>>
      %dma_wait3A_216 = arith.constant 0 : i32
      %dma_wait3A_217 = tpu.memref_slice %arg7[%add3A_181, %dma_wait3A_216] : memref<125x80xi32, #tpu.memory_space<vmem>> -> memref<1x80xi32, #tpu.memory_space<vmem>>
      %dma_wait3A_218 = tpu.memref_squeeze %dma_wait3A_217 : memref<1x80xi32, #tpu.memory_space<vmem>> -> memref<80xi32, #tpu.memory_space<vmem>>
      %dma_wait3A_219 = arith.constant 0 : i32
      %dma_wait3A_220 = arith.constant 0 : i32
      %dma_wait3A_221 = tpu.memref_slice %arg11[%dma_wait3A_219, %dma_wait3A_220] : memref<10240x128xf32, #tpu.memory_space<vmem_shared>> -> memref<10240x128xf32, #tpu.memory_space<vmem_shared>>
      %dma_wait3A_222 = tpu.memref_slice %arg10[%dma_wait3A_211] : memref<2x!tpu.dma_semaphore, #tpu.memory_space<semaphore_mem>> -> memref<1x!tpu.dma_semaphore, #tpu.memory_space<semaphore_mem>>
      %dma_wait3A_223 = tpu.memref_squeeze %dma_wait3A_222 : memref<1x!tpu.dma_semaphore, #tpu.memory_space<semaphore_mem>> -> memref<!tpu.dma_semaphore, #tpu.memory_space<semaphore_mem>>
      tpu.wait_indirect_dma semaphore(%dma_wait3A_223 : memref<!tpu.dma_semaphore, #tpu.memory_space<semaphore_mem>>) src(%dma_wait3A_215 : memref<80x128xf32, #tpu.memory_space<vmem>>) dst(%dma_wait3A_221 : memref<10240x128xf32, #tpu.memory_space<vmem_shared>>)
      %add3A_224 = arith.constant 2 : i32
      %add3A_225 = arith.addi %add3A_181, %add3A_224 : i32
      %lt3A_226 = arith.constant 125 : i32
      %lt3A_227 = arith.cmpi slt, %add3A_225, %lt3A_226 : i32
      %convert_element_type3A_228 = arith.extui %lt3A_227 : i1 to i32
      %cond3A_229 = arith.constant 0 : i32
      %cond3A_230 = arith.cmpi ne, %convert_element_type3A_228, %cond3A_229 : i32
      scf.if %cond3A_230 {
        %add3A_231 = arith.constant 2 : i32
        %add3A_232 = arith.addi %add3A_181, %add3A_231 : i32
        %mul3A_233 = arith.constant 80 : i32
        %mul3A_234 = arith.muli %add3A_232, %mul3A_233 : i32
        %dma_start3A_235 = arith.constant 1 : i32
        %dma_start3A_236 = arith.constant 1 : i32
        %dma_start3A_237 = arith.constant 0 : i32
        %dma_start3A_238 = arith.constant 0 : i32
        %dma_start3A_239 = tpu.memref_slice %arg8[%dma_start3A_235, %dma_start3A_237, %dma_start3A_238] : memref<2x80x128xf32, #tpu.memory_space<vmem>> -> memref<1x80x128xf32, #tpu.memory_space<vmem>>
        %dma_start3A_240 = tpu.memref_squeeze %dma_start3A_239 : memref<1x80x128xf32, #tpu.memory_space<vmem>> -> memref<80x128xf32, #tpu.memory_space<vmem>>
        %dma_start3A_241 = tpu.memref_slice %arg6[%mul3A_234] : memref<10000xi32, #tpu.memory_space<vmem>> -> memref<80xi32, #tpu.memory_space<vmem>>
        %dma_start3A_242 = arith.constant 0 : i32
        %dma_start3A_243 = arith.constant 0 : i32
        %dma_start3A_244 = tpu.memref_slice %arg2[%dma_start3A_242, %dma_start3A_243] : memref<10240x128xf32, #tpu.memory_space<hbm>> -> memref<10240x128xf32, #tpu.memory_space<hbm>>
        %dma_start3A_245 = tpu.memref_slice %arg9[%dma_start3A_236] : memref<2x!tpu.dma_semaphore, #tpu.memory_space<semaphore_mem>> -> memref<1x!tpu.dma_semaphore, #tpu.memory_space<semaphore_mem>>
        %dma_start3A_246 = tpu.memref_squeeze %dma_start3A_245 : memref<1x!tpu.dma_semaphore, #tpu.memory_space<semaphore_mem>> -> memref<!tpu.dma_semaphore, #tpu.memory_space<semaphore_mem>>
        tpu.enqueue_indirect_dma source(%dma_start3A_244 : memref<10240x128xf32, #tpu.memory_space<hbm>>) target(%dma_start3A_240 : memref<80x128xf32, #tpu.memory_space<vmem>>) offsets(%dma_start3A_241 : memref<80xi32, #tpu.memory_space<vmem>>) semaphore(%dma_start3A_246 : memref<!tpu.dma_semaphore, #tpu.memory_space<semaphore_mem>>)
      } else {
      }
    }
    %scan3A_79 = arith.constant 62 : i32
    %dma_wait3A = arith.constant 0 : i32
    %dma_wait3A_80 = arith.constant 0 : i32
    %dma_wait3A_81 = arith.constant 0 : i32
    %dma_wait3A_82 = arith.constant 0 : i32
    %dma_wait3A_83 = tpu.memref_slice %arg8[%dma_wait3A, %dma_wait3A_81, %dma_wait3A_82] : memref<2x80x128xf32, #tpu.memory_space<vmem>> -> memref<1x80x128xf32, #tpu.memory_space<vmem>>
    %dma_wait3A_84 = tpu.memref_squeeze %dma_wait3A_83 : memref<1x80x128xf32, #tpu.memory_space<vmem>> -> memref<80x128xf32, #tpu.memory_space<vmem>>
    %dma_wait3A_85 = arith.constant 9920 : i32
    %dma_wait3A_86 = tpu.memref_slice %arg6[%dma_wait3A_85] : memref<10000xi32, #tpu.memory_space<vmem>> -> memref<80xi32, #tpu.memory_space<vmem>>
    %dma_wait3A_87 = arith.constant 0 : i32
    %dma_wait3A_88 = arith.constant 0 : i32
    %dma_wait3A_89 = tpu.memref_slice %arg2[%dma_wait3A_87, %dma_wait3A_88] : memref<10240x128xf32, #tpu.memory_space<hbm>> -> memref<10240x128xf32, #tpu.memory_space<hbm>>
    %dma_wait3A_90 = tpu.memref_slice %arg9[%dma_wait3A_80] : memref<2x!tpu.dma_semaphore, #tpu.memory_space<semaphore_mem>> -> memref<1x!tpu.dma_semaphore, #tpu.memory_space<semaphore_mem>>
    %dma_wait3A_91 = tpu.memref_squeeze %dma_wait3A_90 : memref<1x!tpu.dma_semaphore, #tpu.memory_space<semaphore_mem>> -> memref<!tpu.dma_semaphore, #tpu.memory_space<semaphore_mem>>
    tpu.wait_indirect_dma semaphore(%dma_wait3A_91 : memref<!tpu.dma_semaphore, #tpu.memory_space<semaphore_mem>>) src(%dma_wait3A_89 : memref<10240x128xf32, #tpu.memory_space<hbm>>) dst(%dma_wait3A_84 : memref<80x128xf32, #tpu.memory_space<vmem>>)
    %dma_start3A_92 = arith.constant 0 : i32
    %dma_start3A_93 = arith.constant 124 : i32
    %dma_start3A_94 = arith.constant 0 : i32
    %dma_start3A_95 = arith.constant 0 : i32
    %dma_start3A_96 = arith.constant 0 : i32
    %dma_start3A_97 = tpu.memref_slice %arg8[%dma_start3A_92, %dma_start3A_95, %dma_start3A_96] : memref<2x80x128xf32, #tpu.memory_space<vmem>> -> memref<1x80x128xf32, #tpu.memory_space<vmem>>
    %dma_start3A_98 = tpu.memref_squeeze %dma_start3A_97 : memref<1x80x128xf32, #tpu.memory_space<vmem>> -> memref<80x128xf32, #tpu.memory_space<vmem>>
    %dma_start3A_99 = arith.constant 0 : i32
    %dma_start3A_100 = tpu.memref_slice %arg7[%dma_start3A_93, %dma_start3A_99] : memref<125x80xi32, #tpu.memory_space<vmem>> -> memref<1x80xi32, #tpu.memory_space<vmem>>
    %dma_start3A_101 = tpu.memref_squeeze %dma_start3A_100 : memref<1x80xi32, #tpu.memory_space<vmem>> -> memref<80xi32, #tpu.memory_space<vmem>>
    %dma_start3A_102 = arith.constant 0 : i32
    %dma_start3A_103 = arith.constant 0 : i32
    %dma_start3A_104 = tpu.memref_slice %arg11[%dma_start3A_102, %dma_start3A_103] : memref<10240x128xf32, #tpu.memory_space<vmem_shared>> -> memref<10240x128xf32, #tpu.memory_space<vmem_shared>>
    %dma_start3A_105 = tpu.memref_slice %arg10[%dma_start3A_94] : memref<2x!tpu.dma_semaphore, #tpu.memory_space<semaphore_mem>> -> memref<1x!tpu.dma_semaphore, #tpu.memory_space<semaphore_mem>>
    %dma_start3A_106 = tpu.memref_squeeze %dma_start3A_105 : memref<1x!tpu.dma_semaphore, #tpu.memory_space<semaphore_mem>> -> memref<!tpu.dma_semaphore, #tpu.memory_space<semaphore_mem>>
    tpu.enqueue_indirect_dma source(%dma_start3A_98 : memref<80x128xf32, #tpu.memory_space<vmem>>) target(%dma_start3A_104 : memref<10240x128xf32, #tpu.memory_space<vmem_shared>>) offsets(%dma_start3A_101 : memref<80xi32, #tpu.memory_space<vmem>>) semaphore(%dma_start3A_106 : memref<!tpu.dma_semaphore, #tpu.memory_space<semaphore_mem>>) {add = true}
    %dma_wait3A_107 = arith.constant 0 : i32
    %dma_wait3A_108 = arith.constant 124 : i32
    %dma_wait3A_109 = arith.constant 0 : i32
    %dma_wait3A_110 = arith.constant 0 : i32
    %dma_wait3A_111 = arith.constant 0 : i32
    %dma_wait3A_112 = tpu.memref_slice %arg8[%dma_wait3A_107, %dma_wait3A_110, %dma_wait3A_111] : memref<2x80x128xf32, #tpu.memory_space<vmem>> -> memref<1x80x128xf32, #tpu.memory_space<vmem>>
    %dma_wait3A_113 = tpu.memref_squeeze %dma_wait3A_112 : memref<1x80x128xf32, #tpu.memory_space<vmem>> -> memref<80x128xf32, #tpu.memory_space<vmem>>
    %dma_wait3A_114 = arith.constant 0 : i32
    %dma_wait3A_115 = tpu.memref_slice %arg7[%dma_wait3A_108, %dma_wait3A_114] : memref<125x80xi32, #tpu.memory_space<vmem>> -> memref<1x80xi32, #tpu.memory_space<vmem>>
    %dma_wait3A_116 = tpu.memref_squeeze %dma_wait3A_115 : memref<1x80xi32, #tpu.memory_space<vmem>> -> memref<80xi32, #tpu.memory_space<vmem>>
    %dma_wait3A_117 = arith.constant 0 : i32
    %dma_wait3A_118 = arith.constant 0 : i32
    %dma_wait3A_119 = tpu.memref_slice %arg11[%dma_wait3A_117, %dma_wait3A_118] : memref<10240x128xf32, #tpu.memory_space<vmem_shared>> -> memref<10240x128xf32, #tpu.memory_space<vmem_shared>>
    %dma_wait3A_120 = tpu.memref_slice %arg10[%dma_wait3A_109] : memref<2x!tpu.dma_semaphore, #tpu.memory_space<semaphore_mem>> -> memref<1x!tpu.dma_semaphore, #tpu.memory_space<semaphore_mem>>
    %dma_wait3A_121 = tpu.memref_squeeze %dma_wait3A_120 : memref<1x!tpu.dma_semaphore, #tpu.memory_space<semaphore_mem>> -> memref<!tpu.dma_semaphore, #tpu.memory_space<semaphore_mem>>
    tpu.wait_indirect_dma semaphore(%dma_wait3A_121 : memref<!tpu.dma_semaphore, #tpu.memory_space<semaphore_mem>>) src(%dma_wait3A_113 : memref<80x128xf32, #tpu.memory_space<vmem>>) dst(%dma_wait3A_119 : memref<10240x128xf32, #tpu.memory_space<vmem_shared>>)
    %barrier3A_122 = arith.constant 0 : index
    tpu.barrier barrier_id(%barrier3A_122)
    %mul3A_123 = arith.constant 640 : i32
    %mul3A_124 = arith.muli %arg1, %mul3A_123 : i32
    %mul3A_125 = arith.constant 640 : i32
    %mul3A_126 = arith.muli %arg1, %mul3A_125 : i32
    "tpu.region"() ({
      %run_scoped3A_127 = tpu.sem_alloc : memref<!tpu.dma_semaphore, #tpu.memory_space<semaphore_mem>>
      %dma_start3A_128 = arith.constant 0 : i32
      %dma_start3A_129 = tpu.memref_slice %arg5[%arg0, %mul3A_126, %dma_start3A_128] : memref<2x10240x128xf32, #tpu.memory_space<hbm>> -> memref<1x640x128xf32, #tpu.memory_space<hbm>>
      %dma_start3A_130 = tpu.memref_squeeze %dma_start3A_129 : memref<1x640x128xf32, #tpu.memory_space<hbm>> -> memref<640x128xf32, #tpu.memory_space<hbm>>
      %dma_start3A_131 = arith.constant 0 : i32
      %dma_start3A_132 = tpu.memref_slice %arg11[%mul3A_124, %dma_start3A_131] : memref<10240x128xf32, #tpu.memory_space<vmem_shared>> -> memref<640x128xf32, #tpu.memory_space<vmem_shared>>
      tpu.enqueue_dma source(%dma_start3A_132 : memref<640x128xf32, #tpu.memory_space<vmem_shared>>) target(%dma_start3A_130 : memref<640x128xf32, #tpu.memory_space<hbm>>) target_semaphore(%run_scoped3A_127 : memref<!tpu.dma_semaphore, #tpu.memory_space<semaphore_mem>>)
      %dma_wait3A_133 = arith.constant 0 : i32
      %dma_wait3A_134 = tpu.memref_slice %arg5[%arg0, %mul3A_126, %dma_wait3A_133] : memref<2x10240x128xf32, #tpu.memory_space<hbm>> -> memref<1x640x128xf32, #tpu.memory_space<hbm>>
      %dma_wait3A_135 = tpu.memref_squeeze %dma_wait3A_134 : memref<1x640x128xf32, #tpu.memory_space<hbm>> -> memref<640x128xf32, #tpu.memory_space<hbm>>
      %dma_wait3A_136 = arith.constant 0 : i32
      %dma_wait3A_137 = tpu.memref_slice %arg11[%mul3A_124, %dma_wait3A_136] : memref<10240x128xf32, #tpu.memory_space<vmem_shared>> -> memref<640x128xf32, #tpu.memory_space<vmem_shared>>
      tpu.wait_dma2 semaphore(%run_scoped3A_127 : memref<!tpu.dma_semaphore, #tpu.memory_space<semaphore_mem>>) src(%dma_wait3A_137 : memref<640x128xf32, #tpu.memory_space<vmem_shared>>) dst(%dma_wait3A_135 : memref<640x128xf32, #tpu.memory_space<hbm>>)
      tpu.yield
    }) : () -> ()
    return
  }
}

module attributes {stable_mosaic.version = 14 : i64} {
  func.func @_scale_body(%arg0: i32, %arg1: memref<2x32x1024xf32, #tpu.memory_space<vmem>>, %arg2: memref<1024x128xf32, #tpu.memory_space<vmem>>, %arg3: memref<1024x128xf32, #tpu.memory_space<vmem>>) attributes {dimension_semantics = [#tpu.dimension_semantics<arbitrary>], iteration_bounds = array<i64: 10>, scalar_prefetch = 0 : i64, scratch_operands = 0 : i64, tpu.core_type = #tpu.core_type<tc>, window_params = [{transform_indices = @transform_0, window_bounds = array<i64: 2, 32, 1024>}, {transform_indices = @transform_1, window_bounds = array<i64: 1024, 128>}, {transform_indices = @transform_2, window_bounds = array<i64: 1024, 128>}]} {
    %get3A = arith.constant 0 : index
    %get3A_0 = arith.constant 0 : index
    %get3A_1 = arith.constant 0 : index
    %get3A_2 = vector.load %arg1[%get3A, %get3A_0, %get3A_1] : memref<2x32x1024xf32, #tpu.memory_space<vmem>>, vector<1x32x1024xf32>
    %get3A_3 = vector.shape_cast %get3A_2 : vector<1x32x1024xf32> to vector<32x1024xf32>
    %reduce_sum3A = arith.constant dense<0.000000e+00> : vector<1024xf32>
    %reduce_sum3A_4 = vector.multi_reduction <add>, %get3A_3, %reduce_sum3A [0] : vector<32x1024xf32> to vector<1024xf32>
    %max3A = arith.constant 1.000000e+00 : f32
    %max3A_5 = vector.broadcast %max3A : f32 to vector<1024xf32>
    %max3A_6 = arith.maximumf %reduce_sum3A_4, %max3A_5 : vector<1024xf32>
    %rsqrt3A = math.rsqrt %max3A_6 : vector<1024xf32>
    %slice3A = vector.extract_strided_slice %rsqrt3A {offsets = [0], sizes = [128], strides = [1]} : vector<1024xf32> to vector<128xf32>
    %broadcast_in_dim3A = vector.shape_cast %slice3A : vector<128xf32> to vector<1x128xf32>
    %broadcast_in_dim3A_7 = vector.shape_cast %broadcast_in_dim3A : vector<1x128xf32> to vector<1x128xf32>
    %broadcast_in_dim3A_8 = vector.broadcast %broadcast_in_dim3A_7 : vector<1x128xf32> to vector<128x128xf32>
    %transpose3A = tpu.transpose %broadcast_in_dim3A_8, [1, 0] : vector<128x128xf32> -> vector<128x128xf32>
    %get3A_9 = arith.constant 0 : index
    %get3A_10 = arith.constant 0 : index
    %get3A_11 = vector.load %arg2[%get3A_9, %get3A_10] : memref<1024x128xf32, #tpu.memory_space<vmem>>, vector<128x128xf32>
    %mul3A = arith.mulf %get3A_11, %transpose3A : vector<128x128xf32>
    %swap3A = arith.constant 0 : index
    %swap3A_12 = arith.constant 0 : index
    %swap3A_13 = vector.load %arg3[%swap3A, %swap3A_12] : memref<1024x128xf32, #tpu.memory_space<vmem>>, vector<128x128xf32>
    tpu.vector_store %arg3[%swap3A, %swap3A_12], %mul3A {strides = array<i32>} : memref<1024x128xf32, #tpu.memory_space<vmem>>, vector<128x128xf32>,
    %slice3A_14 = vector.extract_strided_slice %rsqrt3A {offsets = [128], sizes = [128], strides = [1]} : vector<1024xf32> to vector<128xf32>
    %broadcast_in_dim3A_15 = vector.shape_cast %slice3A_14 : vector<128xf32> to vector<1x128xf32>
    %broadcast_in_dim3A_16 = vector.shape_cast %broadcast_in_dim3A_15 : vector<1x128xf32> to vector<1x128xf32>
    %broadcast_in_dim3A_17 = vector.broadcast %broadcast_in_dim3A_16 : vector<1x128xf32> to vector<128x128xf32>
    %transpose3A_18 = tpu.transpose %broadcast_in_dim3A_17, [1, 0] : vector<128x128xf32> -> vector<128x128xf32>
    %get3A_19 = arith.constant 128 : index
    %get3A_20 = arith.constant 0 : index
    %get3A_21 = vector.load %arg2[%get3A_19, %get3A_20] : memref<1024x128xf32, #tpu.memory_space<vmem>>, vector<128x128xf32>
    %mul3A_22 = arith.mulf %get3A_21, %transpose3A_18 : vector<128x128xf32>
    %swap3A_23 = arith.constant 128 : index
    %swap3A_24 = arith.constant 0 : index
    %swap3A_25 = vector.load %arg3[%swap3A_23, %swap3A_24] : memref<1024x128xf32, #tpu.memory_space<vmem>>, vector<128x128xf32>
    tpu.vector_store %arg3[%swap3A_23, %swap3A_24], %mul3A_22 {strides = array<i32>} : memref<1024x128xf32, #tpu.memory_space<vmem>>, vector<128x128xf32>,
    %slice3A_26 = vector.extract_strided_slice %rsqrt3A {offsets = [256], sizes = [128], strides = [1]} : vector<1024xf32> to vector<128xf32>
    %broadcast_in_dim3A_27 = vector.shape_cast %slice3A_26 : vector<128xf32> to vector<1x128xf32>
    %broadcast_in_dim3A_28 = vector.shape_cast %broadcast_in_dim3A_27 : vector<1x128xf32> to vector<1x128xf32>
    %broadcast_in_dim3A_29 = vector.broadcast %broadcast_in_dim3A_28 : vector<1x128xf32> to vector<128x128xf32>
    %transpose3A_30 = tpu.transpose %broadcast_in_dim3A_29, [1, 0] : vector<128x128xf32> -> vector<128x128xf32>
    %get3A_31 = arith.constant 256 : index
    %get3A_32 = arith.constant 0 : index
    %get3A_33 = vector.load %arg2[%get3A_31, %get3A_32] : memref<1024x128xf32, #tpu.memory_space<vmem>>, vector<128x128xf32>
    %mul3A_34 = arith.mulf %get3A_33, %transpose3A_30 : vector<128x128xf32>
    %swap3A_35 = arith.constant 256 : index
    %swap3A_36 = arith.constant 0 : index
    %swap3A_37 = vector.load %arg3[%swap3A_35, %swap3A_36] : memref<1024x128xf32, #tpu.memory_space<vmem>>, vector<128x128xf32>
    tpu.vector_store %arg3[%swap3A_35, %swap3A_36], %mul3A_34 {strides = array<i32>} : memref<1024x128xf32, #tpu.memory_space<vmem>>, vector<128x128xf32>,
    %slice3A_38 = vector.extract_strided_slice %rsqrt3A {offsets = [384], sizes = [128], strides = [1]} : vector<1024xf32> to vector<128xf32>
    %broadcast_in_dim3A_39 = vector.shape_cast %slice3A_38 : vector<128xf32> to vector<1x128xf32>
    %broadcast_in_dim3A_40 = vector.shape_cast %broadcast_in_dim3A_39 : vector<1x128xf32> to vector<1x128xf32>
    %broadcast_in_dim3A_41 = vector.broadcast %broadcast_in_dim3A_40 : vector<1x128xf32> to vector<128x128xf32>
    %transpose3A_42 = tpu.transpose %broadcast_in_dim3A_41, [1, 0] : vector<128x128xf32> -> vector<128x128xf32>
    %get3A_43 = arith.constant 384 : index
    %get3A_44 = arith.constant 0 : index
    %get3A_45 = vector.load %arg2[%get3A_43, %get3A_44] : memref<1024x128xf32, #tpu.memory_space<vmem>>, vector<128x128xf32>
    %mul3A_46 = arith.mulf %get3A_45, %transpose3A_42 : vector<128x128xf32>
    %swap3A_47 = arith.constant 384 : index
    %swap3A_48 = arith.constant 0 : index
    %swap3A_49 = vector.load %arg3[%swap3A_47, %swap3A_48] : memref<1024x128xf32, #tpu.memory_space<vmem>>, vector<128x128xf32>
    tpu.vector_store %arg3[%swap3A_47, %swap3A_48], %mul3A_46 {strides = array<i32>} : memref<1024x128xf32, #tpu.memory_space<vmem>>, vector<128x128xf32>,
    %slice3A_50 = vector.extract_strided_slice %rsqrt3A {offsets = [512], sizes = [128], strides = [1]} : vector<1024xf32> to vector<128xf32>
    %broadcast_in_dim3A_51 = vector.shape_cast %slice3A_50 : vector<128xf32> to vector<1x128xf32>
    %broadcast_in_dim3A_52 = vector.shape_cast %broadcast_in_dim3A_51 : vector<1x128xf32> to vector<1x128xf32>
    %broadcast_in_dim3A_53 = vector.broadcast %broadcast_in_dim3A_52 : vector<1x128xf32> to vector<128x128xf32>
    %transpose3A_54 = tpu.transpose %broadcast_in_dim3A_53, [1, 0] : vector<128x128xf32> -> vector<128x128xf32>
    %get3A_55 = arith.constant 512 : index
    %get3A_56 = arith.constant 0 : index
    %get3A_57 = vector.load %arg2[%get3A_55, %get3A_56] : memref<1024x128xf32, #tpu.memory_space<vmem>>, vector<128x128xf32>
    %mul3A_58 = arith.mulf %get3A_57, %transpose3A_54 : vector<128x128xf32>
    %swap3A_59 = arith.constant 512 : index
    %swap3A_60 = arith.constant 0 : index
    %swap3A_61 = vector.load %arg3[%swap3A_59, %swap3A_60] : memref<1024x128xf32, #tpu.memory_space<vmem>>, vector<128x128xf32>
    tpu.vector_store %arg3[%swap3A_59, %swap3A_60], %mul3A_58 {strides = array<i32>} : memref<1024x128xf32, #tpu.memory_space<vmem>>, vector<128x128xf32>,
    %slice3A_62 = vector.extract_strided_slice %rsqrt3A {offsets = [640], sizes = [128], strides = [1]} : vector<1024xf32> to vector<128xf32>
    %broadcast_in_dim3A_63 = vector.shape_cast %slice3A_62 : vector<128xf32> to vector<1x128xf32>
    %broadcast_in_dim3A_64 = vector.shape_cast %broadcast_in_dim3A_63 : vector<1x128xf32> to vector<1x128xf32>
    %broadcast_in_dim3A_65 = vector.broadcast %broadcast_in_dim3A_64 : vector<1x128xf32> to vector<128x128xf32>
    %transpose3A_66 = tpu.transpose %broadcast_in_dim3A_65, [1, 0] : vector<128x128xf32> -> vector<128x128xf32>
    %get3A_67 = arith.constant 640 : index
    %get3A_68 = arith.constant 0 : index
    %get3A_69 = vector.load %arg2[%get3A_67, %get3A_68] : memref<1024x128xf32, #tpu.memory_space<vmem>>, vector<128x128xf32>
    %mul3A_70 = arith.mulf %get3A_69, %transpose3A_66 : vector<128x128xf32>
    %swap3A_71 = arith.constant 640 : index
    %swap3A_72 = arith.constant 0 : index
    %swap3A_73 = vector.load %arg3[%swap3A_71, %swap3A_72] : memref<1024x128xf32, #tpu.memory_space<vmem>>, vector<128x128xf32>
    tpu.vector_store %arg3[%swap3A_71, %swap3A_72], %mul3A_70 {strides = array<i32>} : memref<1024x128xf32, #tpu.memory_space<vmem>>, vector<128x128xf32>,
    %slice3A_74 = vector.extract_strided_slice %rsqrt3A {offsets = [768], sizes = [128], strides = [1]} : vector<1024xf32> to vector<128xf32>
    %broadcast_in_dim3A_75 = vector.shape_cast %slice3A_74 : vector<128xf32> to vector<1x128xf32>
    %broadcast_in_dim3A_76 = vector.shape_cast %broadcast_in_dim3A_75 : vector<1x128xf32> to vector<1x128xf32>
    %broadcast_in_dim3A_77 = vector.broadcast %broadcast_in_dim3A_76 : vector<1x128xf32> to vector<128x128xf32>
    %transpose3A_78 = tpu.transpose %broadcast_in_dim3A_77, [1, 0] : vector<128x128xf32> -> vector<128x128xf32>
    %get3A_79 = arith.constant 768 : index
    %get3A_80 = arith.constant 0 : index
    %get3A_81 = vector.load %arg2[%get3A_79, %get3A_80] : memref<1024x128xf32, #tpu.memory_space<vmem>>, vector<128x128xf32>
    %mul3A_82 = arith.mulf %get3A_81, %transpose3A_78 : vector<128x128xf32>
    %swap3A_83 = arith.constant 768 : index
    %swap3A_84 = arith.constant 0 : index
    %swap3A_85 = vector.load %arg3[%swap3A_83, %swap3A_84] : memref<1024x128xf32, #tpu.memory_space<vmem>>, vector<128x128xf32>
    tpu.vector_store %arg3[%swap3A_83, %swap3A_84], %mul3A_82 {strides = array<i32>} : memref<1024x128xf32, #tpu.memory_space<vmem>>, vector<128x128xf32>,
    %slice3A_86 = vector.extract_strided_slice %rsqrt3A {offsets = [896], sizes = [128], strides = [1]} : vector<1024xf32> to vector<128xf32>
    %broadcast_in_dim3A_87 = vector.shape_cast %slice3A_86 : vector<128xf32> to vector<1x128xf32>
    %broadcast_in_dim3A_88 = vector.shape_cast %broadcast_in_dim3A_87 : vector<1x128xf32> to vector<1x128xf32>
    %broadcast_in_dim3A_89 = vector.broadcast %broadcast_in_dim3A_88 : vector<1x128xf32> to vector<128x128xf32>
    %transpose3A_90 = tpu.transpose %broadcast_in_dim3A_89, [1, 0] : vector<128x128xf32> -> vector<128x128xf32>
    %get3A_91 = arith.constant 896 : index
    %get3A_92 = arith.constant 0 : index
    %get3A_93 = vector.load %arg2[%get3A_91, %get3A_92] : memref<1024x128xf32, #tpu.memory_space<vmem>>, vector<128x128xf32>
    %mul3A_94 = arith.mulf %get3A_93, %transpose3A_90 : vector<128x128xf32>
    %swap3A_95 = arith.constant 896 : index
    %swap3A_96 = arith.constant 0 : index
    %swap3A_97 = vector.load %arg3[%swap3A_95, %swap3A_96] : memref<1024x128xf32, #tpu.memory_space<vmem>>, vector<128x128xf32>
    tpu.vector_store %arg3[%swap3A_95, %swap3A_96], %mul3A_94 {strides = array<i32>} : memref<1024x128xf32, #tpu.memory_space<vmem>>, vector<128x128xf32>,
    return
  }
  func.func @transform_0(%arg0: i32) -> (i32, i32, i32) {
    %c0_i32 = arith.constant 0 : i32
    %c0_i32_0 = arith.constant 0 : i32
    %c0_i32_1 = arith.constant 0 : i32
    return %c0_i32, %c0_i32_0, %arg0 : i32, i32, i32
  }
  func.func @transform_1(%arg0: i32) -> (i32, i32) {
    %c0_i32 = arith.constant 0 : i32
    %c0_i32_0 = arith.constant 0 : i32
    return %arg0, %c0_i32 : i32, i32
  }
  func.func @transform_2(%arg0: i32) -> (i32, i32) {
    %c0_i32 = arith.constant 0 : i32
    %c0_i32_0 = arith.constant 0 : i32
    return %arg0, %c0_i32 : i32, i32
  }
}

module attributes {stable_mosaic.version = 14 : i64} {
  func.func @_final_body(%arg0: i32, %arg1: memref<2x1024x128xf32, #tpu.memory_space<vmem>>, %arg2: memref<1x32x1024xf32, #tpu.memory_space<vmem>>, %arg3: memref<1024x128xf32, #tpu.memory_space<vmem>>) attributes {dimension_semantics = [#tpu.dimension_semantics<arbitrary>], iteration_bounds = array<i64: 10>, scalar_prefetch = 0 : i64, scratch_operands = 0 : i64, tpu.core_type = #tpu.core_type<tc>, window_params = [{transform_indices = @transform_0, window_bounds = array<i64: 2, 1024, 128>}, {transform_indices = @transform_1, window_bounds = array<i64: 1, 32, 1024>}, {transform_indices = @transform_2, window_bounds = array<i64: 1024, 128>}]} {
    %get3A = arith.constant 0 : index
    %get3A_0 = arith.constant 0 : index
    %get3A_1 = arith.constant 0 : index
    %get3A_2 = vector.load %arg2[%get3A, %get3A_0, %get3A_1] : memref<1x32x1024xf32, #tpu.memory_space<vmem>>, vector<1x32x1024xf32>
    %get3A_3 = vector.shape_cast %get3A_2 : vector<1x32x1024xf32> to vector<32x1024xf32>
    %reduce_sum3A = arith.constant dense<0.000000e+00> : vector<1024xf32>
    %reduce_sum3A_4 = vector.multi_reduction <add>, %get3A_3, %reduce_sum3A [0] : vector<32x1024xf32> to vector<1024xf32>
    %max3A = arith.constant 1.000000e+00 : f32
    %max3A_5 = vector.broadcast %max3A : f32 to vector<1024xf32>
    %max3A_6 = arith.maximumf %reduce_sum3A_4, %max3A_5 : vector<1024xf32>
    %rsqrt3A = math.rsqrt %max3A_6 : vector<1024xf32>
    %slice3A = vector.extract_strided_slice %rsqrt3A {offsets = [0], sizes = [128], strides = [1]} : vector<1024xf32> to vector<128xf32>
    %broadcast_in_dim3A = vector.shape_cast %slice3A : vector<128xf32> to vector<1x128xf32>
    %broadcast_in_dim3A_7 = vector.shape_cast %broadcast_in_dim3A : vector<1x128xf32> to vector<1x128xf32>
    %broadcast_in_dim3A_8 = vector.broadcast %broadcast_in_dim3A_7 : vector<1x128xf32> to vector<128x128xf32>
    %transpose3A = tpu.transpose %broadcast_in_dim3A_8, [1, 0] : vector<128x128xf32> -> vector<128x128xf32>
    %get3A_9 = arith.constant 0 : index
    %get3A_10 = arith.constant 0 : index
    %get3A_11 = arith.constant 0 : index
    %get3A_12 = vector.load %arg1[%get3A_9, %get3A_10, %get3A_11] : memref<2x1024x128xf32, #tpu.memory_space<vmem>>, vector<1x128x128xf32>
    %get3A_13 = vector.shape_cast %get3A_12 : vector<1x128x128xf32> to vector<128x128xf32>
    %get3A_14 = arith.constant 1 : index
    %get3A_15 = arith.constant 0 : index
    %get3A_16 = arith.constant 0 : index
    %get3A_17 = vector.load %arg1[%get3A_14, %get3A_15, %get3A_16] : memref<2x1024x128xf32, #tpu.memory_space<vmem>>, vector<1x128x128xf32>
    %get3A_18 = vector.shape_cast %get3A_17 : vector<1x128x128xf32> to vector<128x128xf32>
    %add3A = arith.addf %get3A_13, %get3A_18 : vector<128x128xf32>
    %mul3A = arith.mulf %add3A, %transpose3A : vector<128x128xf32>
    %swap3A = arith.constant 0 : index
    %swap3A_19 = arith.constant 0 : index
    %swap3A_20 = vector.load %arg3[%swap3A, %swap3A_19] : memref<1024x128xf32, #tpu.memory_space<vmem>>, vector<128x128xf32>
    tpu.vector_store %arg3[%swap3A, %swap3A_19], %mul3A {strides = array<i32>} : memref<1024x128xf32, #tpu.memory_space<vmem>>, vector<128x128xf32>,
    %slice3A_21 = vector.extract_strided_slice %rsqrt3A {offsets = [128], sizes = [128], strides = [1]} : vector<1024xf32> to vector<128xf32>
    %broadcast_in_dim3A_22 = vector.shape_cast %slice3A_21 : vector<128xf32> to vector<1x128xf32>
    %broadcast_in_dim3A_23 = vector.shape_cast %broadcast_in_dim3A_22 : vector<1x128xf32> to vector<1x128xf32>
    %broadcast_in_dim3A_24 = vector.broadcast %broadcast_in_dim3A_23 : vector<1x128xf32> to vector<128x128xf32>
    %transpose3A_25 = tpu.transpose %broadcast_in_dim3A_24, [1, 0] : vector<128x128xf32> -> vector<128x128xf32>
    %get3A_26 = arith.constant 0 : index
    %get3A_27 = arith.constant 128 : index
    %get3A_28 = arith.constant 0 : index
    %get3A_29 = vector.load %arg1[%get3A_26, %get3A_27, %get3A_28] : memref<2x1024x128xf32, #tpu.memory_space<vmem>>, vector<1x128x128xf32>
    %get3A_30 = vector.shape_cast %get3A_29 : vector<1x128x128xf32> to vector<128x128xf32>
    %get3A_31 = arith.constant 1 : index
    %get3A_32 = arith.constant 128 : index
    %get3A_33 = arith.constant 0 : index
    %get3A_34 = vector.load %arg1[%get3A_31, %get3A_32, %get3A_33] : memref<2x1024x128xf32, #tpu.memory_space<vmem>>, vector<1x128x128xf32>
    %get3A_35 = vector.shape_cast %get3A_34 : vector<1x128x128xf32> to vector<128x128xf32>
    %add3A_36 = arith.addf %get3A_30, %get3A_35 : vector<128x128xf32>
    %mul3A_37 = arith.mulf %add3A_36, %transpose3A_25 : vector<128x128xf32>
    %swap3A_38 = arith.constant 128 : index
    %swap3A_39 = arith.constant 0 : index
    %swap3A_40 = vector.load %arg3[%swap3A_38, %swap3A_39] : memref<1024x128xf32, #tpu.memory_space<vmem>>, vector<128x128xf32>
    tpu.vector_store %arg3[%swap3A_38, %swap3A_39], %mul3A_37 {strides = array<i32>} : memref<1024x128xf32, #tpu.memory_space<vmem>>, vector<128x128xf32>,
    %slice3A_41 = vector.extract_strided_slice %rsqrt3A {offsets = [256], sizes = [128], strides = [1]} : vector<1024xf32> to vector<128xf32>
    %broadcast_in_dim3A_42 = vector.shape_cast %slice3A_41 : vector<128xf32> to vector<1x128xf32>
    %broadcast_in_dim3A_43 = vector.shape_cast %broadcast_in_dim3A_42 : vector<1x128xf32> to vector<1x128xf32>
    %broadcast_in_dim3A_44 = vector.broadcast %broadcast_in_dim3A_43 : vector<1x128xf32> to vector<128x128xf32>
    %transpose3A_45 = tpu.transpose %broadcast_in_dim3A_44, [1, 0] : vector<128x128xf32> -> vector<128x128xf32>
    %get3A_46 = arith.constant 0 : index
    %get3A_47 = arith.constant 256 : index
    %get3A_48 = arith.constant 0 : index
    %get3A_49 = vector.load %arg1[%get3A_46, %get3A_47, %get3A_48] : memref<2x1024x128xf32, #tpu.memory_space<vmem>>, vector<1x128x128xf32>
    %get3A_50 = vector.shape_cast %get3A_49 : vector<1x128x128xf32> to vector<128x128xf32>
    %get3A_51 = arith.constant 1 : index
    %get3A_52 = arith.constant 256 : index
    %get3A_53 = arith.constant 0 : index
    %get3A_54 = vector.load %arg1[%get3A_51, %get3A_52, %get3A_53] : memref<2x1024x128xf32, #tpu.memory_space<vmem>>, vector<1x128x128xf32>
    %get3A_55 = vector.shape_cast %get3A_54 : vector<1x128x128xf32> to vector<128x128xf32>
    %add3A_56 = arith.addf %get3A_50, %get3A_55 : vector<128x128xf32>
    %mul3A_57 = arith.mulf %add3A_56, %transpose3A_45 : vector<128x128xf32>
    %swap3A_58 = arith.constant 256 : index
    %swap3A_59 = arith.constant 0 : index
    %swap3A_60 = vector.load %arg3[%swap3A_58, %swap3A_59] : memref<1024x128xf32, #tpu.memory_space<vmem>>, vector<128x128xf32>
    tpu.vector_store %arg3[%swap3A_58, %swap3A_59], %mul3A_57 {strides = array<i32>} : memref<1024x128xf32, #tpu.memory_space<vmem>>, vector<128x128xf32>,
    %slice3A_61 = vector.extract_strided_slice %rsqrt3A {offsets = [384], sizes = [128], strides = [1]} : vector<1024xf32> to vector<128xf32>
    %broadcast_in_dim3A_62 = vector.shape_cast %slice3A_61 : vector<128xf32> to vector<1x128xf32>
    %broadcast_in_dim3A_63 = vector.shape_cast %broadcast_in_dim3A_62 : vector<1x128xf32> to vector<1x128xf32>
    %broadcast_in_dim3A_64 = vector.broadcast %broadcast_in_dim3A_63 : vector<1x128xf32> to vector<128x128xf32>
    %transpose3A_65 = tpu.transpose %broadcast_in_dim3A_64, [1, 0] : vector<128x128xf32> -> vector<128x128xf32>
    %get3A_66 = arith.constant 0 : index
    %get3A_67 = arith.constant 384 : index
    %get3A_68 = arith.constant 0 : index
    %get3A_69 = vector.load %arg1[%get3A_66, %get3A_67, %get3A_68] : memref<2x1024x128xf32, #tpu.memory_space<vmem>>, vector<1x128x128xf32>
    %get3A_70 = vector.shape_cast %get3A_69 : vector<1x128x128xf32> to vector<128x128xf32>
    %get3A_71 = arith.constant 1 : index
    %get3A_72 = arith.constant 384 : index
    %get3A_73 = arith.constant 0 : index
    %get3A_74 = vector.load %arg1[%get3A_71, %get3A_72, %get3A_73] : memref<2x1024x128xf32, #tpu.memory_space<vmem>>, vector<1x128x128xf32>
    %get3A_75 = vector.shape_cast %get3A_74 : vector<1x128x128xf32> to vector<128x128xf32>
    %add3A_76 = arith.addf %get3A_70, %get3A_75 : vector<128x128xf32>
    %mul3A_77 = arith.mulf %add3A_76, %transpose3A_65 : vector<128x128xf32>
    %swap3A_78 = arith.constant 384 : index
    %swap3A_79 = arith.constant 0 : index
    %swap3A_80 = vector.load %arg3[%swap3A_78, %swap3A_79] : memref<1024x128xf32, #tpu.memory_space<vmem>>, vector<128x128xf32>
    tpu.vector_store %arg3[%swap3A_78, %swap3A_79], %mul3A_77 {strides = array<i32>} : memref<1024x128xf32, #tpu.memory_space<vmem>>, vector<128x128xf32>,
    %slice3A_81 = vector.extract_strided_slice %rsqrt3A {offsets = [512], sizes = [128], strides = [1]} : vector<1024xf32> to vector<128xf32>
    %broadcast_in_dim3A_82 = vector.shape_cast %slice3A_81 : vector<128xf32> to vector<1x128xf32>
    %broadcast_in_dim3A_83 = vector.shape_cast %broadcast_in_dim3A_82 : vector<1x128xf32> to vector<1x128xf32>
    %broadcast_in_dim3A_84 = vector.broadcast %broadcast_in_dim3A_83 : vector<1x128xf32> to vector<128x128xf32>
    %transpose3A_85 = tpu.transpose %broadcast_in_dim3A_84, [1, 0] : vector<128x128xf32> -> vector<128x128xf32>
    %get3A_86 = arith.constant 0 : index
    %get3A_87 = arith.constant 512 : index
    %get3A_88 = arith.constant 0 : index
    %get3A_89 = vector.load %arg1[%get3A_86, %get3A_87, %get3A_88] : memref<2x1024x128xf32, #tpu.memory_space<vmem>>, vector<1x128x128xf32>
    %get3A_90 = vector.shape_cast %get3A_89 : vector<1x128x128xf32> to vector<128x128xf32>
    %get3A_91 = arith.constant 1 : index
    %get3A_92 = arith.constant 512 : index
    %get3A_93 = arith.constant 0 : index
    %get3A_94 = vector.load %arg1[%get3A_91, %get3A_92, %get3A_93] : memref<2x1024x128xf32, #tpu.memory_space<vmem>>, vector<1x128x128xf32>
    %get3A_95 = vector.shape_cast %get3A_94 : vector<1x128x128xf32> to vector<128x128xf32>
    %add3A_96 = arith.addf %get3A_90, %get3A_95 : vector<128x128xf32>
    %mul3A_97 = arith.mulf %add3A_96, %transpose3A_85 : vector<128x128xf32>
    %swap3A_98 = arith.constant 512 : index
    %swap3A_99 = arith.constant 0 : index
    %swap3A_100 = vector.load %arg3[%swap3A_98, %swap3A_99] : memref<1024x128xf32, #tpu.memory_space<vmem>>, vector<128x128xf32>
    tpu.vector_store %arg3[%swap3A_98, %swap3A_99], %mul3A_97 {strides = array<i32>} : memref<1024x128xf32, #tpu.memory_space<vmem>>, vector<128x128xf32>,
    %slice3A_101 = vector.extract_strided_slice %rsqrt3A {offsets = [640], sizes = [128], strides = [1]} : vector<1024xf32> to vector<128xf32>
    %broadcast_in_dim3A_102 = vector.shape_cast %slice3A_101 : vector<128xf32> to vector<1x128xf32>
    %broadcast_in_dim3A_103 = vector.shape_cast %broadcast_in_dim3A_102 : vector<1x128xf32> to vector<1x128xf32>
    %broadcast_in_dim3A_104 = vector.broadcast %broadcast_in_dim3A_103 : vector<1x128xf32> to vector<128x128xf32>
    %transpose3A_105 = tpu.transpose %broadcast_in_dim3A_104, [1, 0] : vector<128x128xf32> -> vector<128x128xf32>
    %get3A_106 = arith.constant 0 : index
    %get3A_107 = arith.constant 640 : index
    %get3A_108 = arith.constant 0 : index
    %get3A_109 = vector.load %arg1[%get3A_106, %get3A_107, %get3A_108] : memref<2x1024x128xf32, #tpu.memory_space<vmem>>, vector<1x128x128xf32>
    %get3A_110 = vector.shape_cast %get3A_109 : vector<1x128x128xf32> to vector<128x128xf32>
    %get3A_111 = arith.constant 1 : index
    %get3A_112 = arith.constant 640 : index
    %get3A_113 = arith.constant 0 : index
    %get3A_114 = vector.load %arg1[%get3A_111, %get3A_112, %get3A_113] : memref<2x1024x128xf32, #tpu.memory_space<vmem>>, vector<1x128x128xf32>
    %get3A_115 = vector.shape_cast %get3A_114 : vector<1x128x128xf32> to vector<128x128xf32>
    %add3A_116 = arith.addf %get3A_110, %get3A_115 : vector<128x128xf32>
    %mul3A_117 = arith.mulf %add3A_116, %transpose3A_105 : vector<128x128xf32>
    %swap3A_118 = arith.constant 640 : index
    %swap3A_119 = arith.constant 0 : index
    %swap3A_120 = vector.load %arg3[%swap3A_118, %swap3A_119] : memref<1024x128xf32, #tpu.memory_space<vmem>>, vector<128x128xf32>
    tpu.vector_store %arg3[%swap3A_118, %swap3A_119], %mul3A_117 {strides = array<i32>} : memref<1024x128xf32, #tpu.memory_space<vmem>>, vector<128x128xf32>,
    %slice3A_121 = vector.extract_strided_slice %rsqrt3A {offsets = [768], sizes = [128], strides = [1]} : vector<1024xf32> to vector<128xf32>
    %broadcast_in_dim3A_122 = vector.shape_cast %slice3A_121 : vector<128xf32> to vector<1x128xf32>
    %broadcast_in_dim3A_123 = vector.shape_cast %broadcast_in_dim3A_122 : vector<1x128xf32> to vector<1x128xf32>
    %broadcast_in_dim3A_124 = vector.broadcast %broadcast_in_dim3A_123 : vector<1x128xf32> to vector<128x128xf32>
    %transpose3A_125 = tpu.transpose %broadcast_in_dim3A_124, [1, 0] : vector<128x128xf32> -> vector<128x128xf32>
    %get3A_126 = arith.constant 0 : index
    %get3A_127 = arith.constant 768 : index
    %get3A_128 = arith.constant 0 : index
    %get3A_129 = vector.load %arg1[%get3A_126, %get3A_127, %get3A_128] : memref<2x1024x128xf32, #tpu.memory_space<vmem>>, vector<1x128x128xf32>
    %get3A_130 = vector.shape_cast %get3A_129 : vector<1x128x128xf32> to vector<128x128xf32>
    %get3A_131 = arith.constant 1 : index
    %get3A_132 = arith.constant 768 : index
    %get3A_133 = arith.constant 0 : index
    %get3A_134 = vector.load %arg1[%get3A_131, %get3A_132, %get3A_133] : memref<2x1024x128xf32, #tpu.memory_space<vmem>>, vector<1x128x128xf32>
    %get3A_135 = vector.shape_cast %get3A_134 : vector<1x128x128xf32> to vector<128x128xf32>
    %add3A_136 = arith.addf %get3A_130, %get3A_135 : vector<128x128xf32>
    %mul3A_137 = arith.mulf %add3A_136, %transpose3A_125 : vector<128x128xf32>
    %swap3A_138 = arith.constant 768 : index
    %swap3A_139 = arith.constant 0 : index
    %swap3A_140 = vector.load %arg3[%swap3A_138, %swap3A_139] : memref<1024x128xf32, #tpu.memory_space<vmem>>, vector<128x128xf32>
    tpu.vector_store %arg3[%swap3A_138, %swap3A_139], %mul3A_137 {strides = array<i32>} : memref<1024x128xf32, #tpu.memory_space<vmem>>, vector<128x128xf32>,
    %slice3A_141 = vector.extract_strided_slice %rsqrt3A {offsets = [896], sizes = [128], strides = [1]} : vector<1024xf32> to vector<128xf32>
    %broadcast_in_dim3A_142 = vector.shape_cast %slice3A_141 : vector<128xf32> to vector<1x128xf32>
    %broadcast_in_dim3A_143 = vector.shape_cast %broadcast_in_dim3A_142 : vector<1x128xf32> to vector<1x128xf32>
    %broadcast_in_dim3A_144 = vector.broadcast %broadcast_in_dim3A_143 : vector<1x128xf32> to vector<128x128xf32>
    %transpose3A_145 = tpu.transpose %broadcast_in_dim3A_144, [1, 0] : vector<128x128xf32> -> vector<128x128xf32>
    %get3A_146 = arith.constant 0 : index
    %get3A_147 = arith.constant 896 : index
    %get3A_148 = arith.constant 0 : index
    %get3A_149 = vector.load %arg1[%get3A_146, %get3A_147, %get3A_148] : memref<2x1024x128xf32, #tpu.memory_space<vmem>>, vector<1x128x128xf32>
    %get3A_150 = vector.shape_cast %get3A_149 : vector<1x128x128xf32> to vector<128x128xf32>
    %get3A_151 = arith.constant 1 : index
    %get3A_152 = arith.constant 896 : index
    %get3A_153 = arith.constant 0 : index
    %get3A_154 = vector.load %arg1[%get3A_151, %get3A_152, %get3A_153] : memref<2x1024x128xf32, #tpu.memory_space<vmem>>, vector<1x128x128xf32>
    %get3A_155 = vector.shape_cast %get3A_154 : vector<1x128x128xf32> to vector<128x128xf32>
    %add3A_156 = arith.addf %get3A_150, %get3A_155 : vector<128x128xf32>
    %mul3A_157 = arith.mulf %add3A_156, %transpose3A_145 : vector<128x128xf32>
    %swap3A_158 = arith.constant 896 : index
    %swap3A_159 = arith.constant 0 : index
    %swap3A_160 = vector.load %arg3[%swap3A_158, %swap3A_159] : memref<1024x128xf32, #tpu.memory_space<vmem>>, vector<128x128xf32>
    tpu.vector_store %arg3[%swap3A_158, %swap3A_159], %mul3A_157 {strides = array<i32>} : memref<1024x128xf32, #tpu.memory_space<vmem>>, vector<128x128xf32>,
    return
  }
  func.func @transform_0(%arg0: i32) -> (i32, i32, i32) {
    %c0_i32 = arith.constant 0 : i32
    %c0_i32_0 = arith.constant 0 : i32
    %c0_i32_1 = arith.constant 0 : i32
    return %c0_i32, %arg0, %c0_i32_0 : i32, i32, i32
  }
  func.func @transform_1(%arg0: i32) -> (i32, i32, i32) {
    %c1_i32 = arith.constant 1 : i32
    %c0_i32 = arith.constant 0 : i32
    %c0_i32_0 = arith.constant 0 : i32
    return %c1_i32, %c0_i32, %arg0 : i32, i32, i32
  }
  func.func @transform_2(%arg0: i32) -> (i32, i32) {
    %c0_i32 = arith.constant 0 : i32
    %c0_i32_0 = arith.constant 0 : i32
    return %arg0, %c0_i32 : i32, i32
  }
}

</mosaic_0001>

<sc_bundles>
// kernel: kernel.6.cloned.1.call-start
scs
__scs_entry_jumppad:
0x0: {  	(pc) =	sbr.rel $0x88, $3  }
0x1: {  	(tag) =	ssettag $0x0;
	lr =	simm.s32 $0x1  }
0x2: {  	[smem:$0x3F9E] =	sst lr;
	_ =	strace $0xD0000000  }
0x3: {  	_ = 	snop  }
0x4: {  	_ = 	snop  }
0x5: {  	_ = 	snop  }
0x6: {  	_ = 	snop  }
0x7: {  	_ = 	snop  }
__scs_overlays_trampoline_lowered:
0x8: {  	[smem:$0x3FAD] =	sst s0  }
0x9: {  	[smem:$0x3FAE] =	sst s1  }
0xa: {  	[smem:$0x3FAF] =	sst s2  }
0xb: {  	[smem:$0x3FB0] =	sst s3  }
0xc: {  	[smem:$0x3FB1] =	sst s4  }
0xd: {  	[smem:$0x3FB2] =	sst s5  }
0xe: {  	[smem:$0x3FB3] =	sst s6  }
0xf: {  	[smem:$0x3FB4] =	sst s7  }
0x10: {  	[smem:$0x3FB5] =	sst s8  }
0x11: {  	[smem:$0x3FB6] =	sst s9;
	s0 =	simm.s32 @!p0 $0x0  }
0x12: {  	s1 =	sld [smem:$0x3F9C];
	s0 =	simm.s32 @p0 $0x1  }
0x13: {  	[smem:$0x3FB7] =	sst s0;
	s0 =	simm.s32 @!p1 $0x0  }
0x14: {  	s2 =	sld [smem:$0x3F9B];
	s0 =	simm.s32 @p1 $0x1  }
0x15: {  	[smem:$0x3FB8] =	sst s0;
	s0 =	simm.s32 @!p2 $0x0  }
0x16: {  	s3 =	sld [smem:$0x3FDB];
	s0 =	simm.s32 @p2 $0x1  }
0x17: {  	s4 =	simm.s32 $0x1BF5;
	[smem:$0x3FBA] =	sst s0  }
0x18: {  	s0 =	sld [smem:$0x3F9D];
	_ =	swait.ge [sflag:s4], $0x0  }
0x19: {  	s7 =	sld [smem:$0x3F9E]  }
0x1a: {  	s8 =	sadd.s32 $0xFFFFE003, lr  }
0x1b: {  	s9 =	sadd.s32 $0xFFFFFEF7, lr;
	s5 =	simm.s32 $0xFFFFFFFF;
	p2 =	slt.u32 s8, $0xFFFFF086  }
0x1c: {  	p1 =	slt.u32 s9, $0xF7A;
	s5 =	simm.s32 @!p2 $0x0  }
0x1d: {  	s5 =	simm.s32 @p1 $0x1;
	p0 =	seq.s32 s7, s2  }
0x1e: {  	s7 =	smul.u32 @!p0 $0xF7A, s2;
	p2 =	seq.s32 @!p0 s5, $0x0  }
0x1f: {  	s9 =	smul.u32 $0xF7A, s1;
	s8 =	simm.s32 @!p0 $0x1BF5;
	p2 =	por !p2, p0  }
0x20: {  	[sflag:s8] =	ssyncset.s32 @!p0 $0xFFFFF086;
	s6 =	sadd.s32 @!p0 s3, s7;
	s7 =	simm.s32 @!p0 $0x108  }
0x21: {  	s3 =	sadd.s32 s3, s9;
	s6 =	sadd.s32 @!p0 $0x88, s6;
	s7 =	simm.s32 @p2 $0x1082  }
0x22: {  	[simem:s7], [sflag:s8] =	dma.local @!p0 [hbm:s6], $0xF7A  }
0x23: {  	s9 =	sor.u32 $0xD0000000, s2;
	s6 =	simm.s32 $0x108;
	_ =	swait.ge @!p0 [sflag:s8], $0x0  }
0x24: {  	s3 =	sadd.s32 $0x88, s3;
	s6 =	simm.s32 @!p1 $0x1082;
	[sflag:s4] =	ssyncset.s32 $0xFFFFF086  }
0x25: {  	[simem:s6], [sflag:s4] =	dma.local [hbm:s3], $0xF7A  }
0x26: {  	[smem:$0x3F9E] =	sst s1;
	(tag) =	ssettag s2;
	_ =	strace s9  }
0x27: {  	s1 =	sld [smem:$0x3FAE]  }
0x28: {  	s2 =	sld [smem:$0x3FAF]  }
0x29: {  	s4 =	sld [smem:$0x3FB1]  }
0x2a: {  	p0 =	seq.s32 s5, $0x0;
	s5 =	sld [smem:$0x3FB2]  }
0x2b: {  	s6 =	sld [smem:$0x3FB3]  }
0x2c: {  	s7 =	sld [smem:$0x3FB4]  }
0x2d: {  	s3 =	simm.s32 $0x108;
	s8 =	sld [smem:$0x3FB5]  }
0x2e: {  	s3 =	simm.s32 @!p0 $0x1082;
	s9 =	sld [smem:$0x3FB6]  }
0x2f: {  	lr =	sadd.s32 s0, s3;
	s0 =	sld [smem:$0x3FAD]  }
0x30: {  	s3 =	sld [smem:$0x3FB0]  }
0x31: {  	[smem:$0x3FB9] =	sst s10  }
0x32: {  	s10 =	sld [smem:$0x3FB7];
	_ =	sdelay $0x3  }
0x33: {  	p0 =	seq.s32 s10, $0x1;
	s10 =	sld [smem:$0x3FB9];
	_ =	sdelay $0x3  }
0x34: {  	[smem:$0x3FB9] =	sst s10  }
0x35: {  	s10 =	sld [smem:$0x3FB8];
	_ =	sdelay $0x3  }
0x36: {  	p1 =	seq.s32 s10, $0x1;
	s10 =	sld [smem:$0x3FB9];
	_ =	sdelay $0x3  }
0x37: {  	[smem:$0x3FB9] =	sst s10  }
0x38: {  	s10 =	sld [smem:$0x3FBA]  }
0x39: {  	_ = 	snop;
	(pc) =	sbr.ind lr, $3  }
0x3a: {  	_ = 	snop  }
0x3b: {  	_ = 	snop  }
0x3c: {  	p2 =	seq.s32 s10, $0x1;
	s10 =	sld [smem:$0x3FB9]  }
0x3d: {  	_ =	shalt  }
0x3e: {  	_ =	shalt  }
0x3f: {  	_ =	shalt  }
0x40: {  	_ =	shalt  }
0x41: {  	_ =	shalt  }
0x42: {  	_ =	shalt  }
0x43: {  	_ =	shalt  }
0x44: {  	_ =	shalt  }
0x45: {  	_ =	shalt  }
0x46: {  	_ =	shalt  }
0x47: {  	_ =	shalt  }
0x48: {  	_ =	shalt  }
0x49: {  	_ =	shalt  }
0x4a: {  	_ =	shalt  }
0x4b: {  	_ =	shalt  }
0x4c: {  	_ =	shalt  }
0x4d: {  	_ =	shalt  }
0x4e: {  	_ =	shalt  }
0x4f: {  	_ =	shalt  }
0x50: {  	_ =	shalt  }
0x51: {  	_ =	shalt  }
0x52: {  	_ =	shalt  }
0x53: {  	_ =	shalt  }
0x54: {  	_ =	shalt  }
0x55: {  	_ =	shalt  }
0x56: {  	_ =	shalt  }
0x57: {  	_ =	shalt  }
0x58: {  	_ =	shalt  }
0x59: {  	_ =	shalt  }
0x5a: {  	_ =	shalt  }
0x5b: {  	_ =	shalt  }
0x5c: {  	_ =	shalt  }
0x5d: {  	_ =	shalt  }
0x5e: {  	_ =	shalt  }
0x5f: {  	_ =	shalt  }
0x60: {  	_ =	shalt  }
0x61: {  	_ =	shalt  }
0x62: {  	_ =	shalt  }
0x63: {  	_ =	shalt  }
0x64: {  	_ =	shalt  }
0x65: {  	_ =	shalt  }
0x66: {  	_ =	shalt  }
0x67: {  	_ =	shalt  }
0x68: {  	_ =	shalt  }
0x69: {  	_ =	shalt  }
0x6a: {  	_ =	shalt  }
0x6b: {  	_ =	shalt  }
0x6c: {  	_ =	shalt  }
0x6d: {  	_ =	shalt  }
0x6e: {  	_ =	shalt  }
0x6f: {  	_ =	shalt  }
0x70: {  	_ =	shalt  }
0x71: {  	_ =	shalt  }
0x72: {  	_ =	shalt  }
0x73: {  	_ =	shalt  }
0x74: {  	_ =	shalt  }
0x75: {  	_ =	shalt  }
0x76: {  	_ =	shalt  }
0x77: {  	_ =	shalt  }
0x78: {  	_ =	shalt  }
0x79: {  	_ =	shalt  }
0x7a: {  	_ =	shalt  }
0x7b: {  	_ =	shalt  }
0x7c: {  	_ =	shalt  }
0x7d: {  	_ =	shalt  }
0x7e: {  	_ =	shalt  }
0x7f: {  	_ =	shalt  }
0x80: {  	_ =	shalt  }
0x81: {  	_ =	shalt  }
0x82: {  	_ =	shalt  }
0x83: {  	_ =	shalt  }
0x84: {  	_ =	shalt  }
0x85: {  	_ =	shalt  }
0x86: {  	_ =	shalt  }
0x87: {  	_ =	shalt  }
.Lfunc_end0:
.L_simem_size_0:
called_computation_lowered:
.L_overlay_start_0:
0x88: {  	s2 =	sld [smem:$0x3FD9]  }
0x89: {  	s3 =	sld [smem:$0x3FFE];
	_ =	sdelay $0x1  }
0x8a: {  	s1 =	srdreg.scid  }
0x8b: {  	s0 =	sand.u32 $0x1, s1  }
0x8c: {  	s16 =	sshll.u32 s0, $0xA;
	s2 =	sadd.s32 s3, s2  }
0x8d: {  	s2 =	sadd.s32 s2, s16  }
0x8e: {  	[smem:$0x3FC5] =	sst s2  }
0x8f: {  	_ = 	snop  }
0x90: {  	(tm) =	ssettm $0x1  }
0x91: {  	s17 =	sld [smem:$0x3FFB];
	_ =	sdelay $0x3  }
0x92: {  	_ =	strace s17  }
0x93: {  	s2 =	sld [smem:$0x3FFC];
	_ =	sdelay $0x3  }
0x94: {  	_ =	strace s2  }
0x95: {  	s2 =	sld [smem:$0x3FFD];
	_ =	sdelay $0x3  }
0x96: {  	_ =	strace s2  }
0x97: {  	_ =	strace $0x8FFFFFFF  }
0x98: {  	s18 =	sld [smem:$0x3FDB];
	_ =	sdelay $0x1  }
0x99: {  	s19 =	simm.s32 $_scs_section_size  }
0x9a: {  	s4 =	simm.s32 $_size__tile_overlayer_lowered;
	s5 =	simm.s32 $_tile_overlayer_lowered  }
0x9b: {  	s22 =	simm.s32 $0x1BFF;
	s21 =	sshll.u32 s5, $0x1;
	s2 =	sadd.s32 s19, s18  }
0x9c: {  	s6 =	simm.s32 $0x0;
	s20 =	sshll.u32 s4, $0x1;
	s4 =	sadd.s32 s21, s2  }
0x9d: {  	[timem:s6], [sflag:s22] =	dma.local [hbm:s4], s20  }
0x9e: {  	_ =	swait.ge [sflag:s22], s20  }
0x9f: {  	s3 =	ssub.s32 $0x0, s20;
	[sflag:s22] =	ssyncset.done $0x0  }
0xa0: {  	[sflag:s22] =	ssyncadd.s32 s3;
	_ =	sdelay $0x1  }
0xa1: {  	s23 =	simm.s32 $0x1B8B  }
0xa2: {  	_ =	swait.ge [sflag:s23], $0x1  }
0xa3: {  	[sflag:s23] =	ssyncset.done $0x0  }
0xa4: {  	s25 =	simm.s32 $0x1B8E;
	s24 =	sld [smem:$0x3FFE];
	[sflag:s23] =	ssyncadd.s32 $0xFFFFFFFF  }
0xa5: {  	s26 =	simm.s32 $execute0_lowered;
	[smem:$0x3FD2] =	sst s25  }
0xa6: {  	s4 =	sshll.u32 s26, $0x1;
	_ =	strace $0x80000046;
	[dreg:$0x1] =	wrdreg $0xFFFFFFFF  }
0xa7: {  	s28 =	simm.s32 $_size_execute0_lowered;
	s2 =	sadd.s32 s2, s4;
	[dreg:$0x0] =	wrdreg $0x0  }
0xa8: {  	s4 =	sshll.u32 s28, $0x1;
	[dreg:$0x2] =	wrdreg s2  }
0xa9: {  	[dreg:$0x3] =	wrdreg s4  }
0xaa: {  	[dreg:$0x4] =	wrdreg $0xC0  }
0xab: {  	_ =	task [dreg:s6], $0x5FFFF  }
0xac: {  	[dreg:$0x1] =	wrdreg $0xFFFFFFFF  }
0xad: {  	[dreg:$0x0] =	wrdreg $0x60  }
0xae: {  	[dreg:$0x2] =	wrdreg s24  }
0xaf: {  	[dreg:$0x3] =	wrdreg $0x9  }
0xb0: {  	_ =	task.clear_ibuf [dreg:s6], $0x4FFFF;
	_ =	strace $0x90000046  }
0xb1: {  	s29 =	simm.s32 $0x9;
	_ =	strace $0x80000048  }
0xb2: {  	_ =	swait.ge [sflag:s29], $0x1  }
0xb3: {  	[sflag:s29] =	ssyncadd.s32 $0xFFFFFFFF  }
0xb4: {  	_ =	strace $0x90000048  }
0xb5: {  	_ =	sfence  }
0xb6: {  	s30 =	sld [smem:$0x0];
	_ =	sdelay $0x2  }
0xb7: {  	s31 =	sshll.u32 s1, $0xD;
	s1 =	sshrl.u32 s1, $0x2  }
0xb8: {  	s3 =	sand.u32 $0x4000, s31;
	s1 =	sadd.s32 s1, s30  }
0xb9: {  	s0 =	sor.u32 s3, s0;
	s1 =	sshll.u32 s1, $0x11  }
0xba: {  	s0 =	sor.u32 s1, s0  }
0xbb: {  	s0 =	sadd.s32 $0x8F2B, s0  }
0xbc: {  	[sflag:s0] =	ssyncadd.remote.s32 $0x1  }
0xbd: {  	_ =	sfence.sel $0xFFFF  }
0xbe: {  	[dreg:$0x0] =	wrdreg $0xFFFFFFFF;
	(pc) =	sbr.abs _section_cstart, $3  }
0xbf: {  	[dreg:$0x1] =	wrdreg $0xFFFFFFFF  }
0xc0: {  	_ =	task.clear_ibuf [dreg:s6], $0x2FFFF;
	_ =	strace $0x9FFFFFFF  }
0xc1: {  	(tm) =	ssettm $0x7FFFFFFF  }
tec
execute0_lowered:
.L_overlay_start_1:
0x0: {  	(tag) =	ssettag $0x1  }
0x1: {  	s1 =	srdreg.scid;
	s0 =	stileid.u32  }
0x2: {  	s4 =	rddreg [dreg:$0x0];
	s2 =	simm.s32 $0x0;
	s9 =	simm.s32 $0x2780  }
0x3: {  	s10 =	simm.s32 $0x4F00;
	s3 =	sand.u32 $0x1, s1;
	s31 =	sshll.u32 s0, $0x1  }
0x4: {  	s11 =	simm.s32 $0x7700;
	s12 =	simm.s32 $0x0;
	s5 =	sor.u32 s3, s31  }
0x5: {  	s1 =	rddreg [dreg:$0x1];
	s3 =	ssub.s32 $0x2, s3;
	s6 =	smul.u32 $0x2780, s5  }
0x6: {  	[smem:$0x7FF] =	sst s2;
	s5 =	smul.u32 $0x2800, s5;
	s7 =	sshrl.u32 s3, $0x1  }
0x7: {  	_ =	strace $0x80000047;
	s7 =	ssub.s32 s3, s7;
	s6 =	sshrl.u32 s6, $0x3  }
0x8: {  	s5 =	sshrl.u32 s5, $0x3;
	s7 =	smax.u32 s7, $0x1;
	s6 =	sadd.s32 s6, s4  }
0x9: {  	s8 =	sadd.s32 s5, s4;
	s3 =	sadd.s32 $0x1200, s6;
	s4 =	sadd.s32 $0xB000, s6  }
0xa: {  	v0 =	vimm.f32 $0.0e+00;
	v1 =	vimm.f32 $1.000000000e+00;
	s5 =	sadd.s32 $0x14E00, s8;
	s6 =	sadd.s32 $0x1EE00, s8;
	s8 =	simm.s32 $0x1  }
.LBB2_1:
0xb: {  	[tilespmem:s2], [sflag:$0x1] =	stream.linear.gather [hbm4b:s3+s2], $0x2780, $0x38;
	[tilespmem:$0x9F00] =	vst v63  }
0xc: {  	_ =	swait.ge [sflag:s8], $0x2780  }
0xd: {  	[sflag:s8] =	ssyncset.done $0x0  }
0xe: {  	[sflag:s8] =	ssyncadd.s32 $0xFFFFD880  }
0xf: {  	[tilespmem:s9], [sflag:$0x1] =	stream.linear.gather [hbm4b:s4+s2], $0x2780, $0x38;
	[tilespmem:$0x9F00] =	vst v63  }
0x10: {  	_ =	swait.ge [sflag:s8], $0x2780  }
0x11: {  	[sflag:s8] =	ssyncset.done $0x0  }
0x12: {  	s13 =	simm.s32 $0x0;
	[sflag:s8] =	ssyncadd.s32 $0xFFFFD880  }
.LBB2_2:
0x13: {  	p0 =	sne.s32 s13, $0x9FC0  }
.Ltmp0:
0x14: {  	_ = 	snop;
	(pc) =	sbr.rel @p0 .LBB2_2-.Ltmp0, $4  }
0x15: {  	_ = 	snop  }
0x16: {  	s14 =	sshra.s32 s13, $0x2  }
0x17: {  	[tilespmem:s14+$0x4F00] =	vst v0  }
0x18: {  	s13 =	sadd.s32 $0x40, s13;
	[tilespmem:s14+$0x7700] =	vst v0  }
0x19: {  	s14 =	simm.s32 $0x0;
	s13 =	simm.s32 $0x40  }
.LBB2_4:
0x1a: {  	p0 =	sne.s32 s13, $0x9C00;
	v2 =	vld [tilespmem:s14+$0x0];
	_ =	sdelay $0x7  }
0x1b: {  	[tilespmem:v2+s10+$0x0] =	vst.idx.add.f32.msk $0xffff, v1  }
0x1c: {  	v2 =	vld [tilespmem:s14+$0x2780];
	_ =	sdelay $0x3  }
.Ltmp1:
0x1d: {  	(pc) =	sbr.rel @p0 .LBB2_4-.Ltmp1, $2  }
0x1e: {  	_ =	sdelay $0x2  }
0x1f: {  	s14 =	sshra.s32 s13, $0x2;
	s13 =	sadd.s32 $0x40, s13;
	[tilespmem:v2+s11+$0x0] =	vst.idx.add.f32.msk $0xffff, v1  }
0x20: {  	v2 =	vld [tilespmem:s14+$0x0];
	_ =	sdelay $0x7  }
0x21: {  	[tilespmem:v2+s10+$0x0] =	vst.idx.add.f32.msk $0xffff, v1  }
0x22: {  	v2 =	vld [tilespmem:s14+$0x2780];
	_ =	sdelay $0x7  }
0x23: {  	[tilespmem:v2+s11+$0x0] =	vst.idx.add.f32.msk $0xffff, v1  }
0x24: {  	[hbm4b:s5+s2] =	stream.linear.scatter [tilespmem:s10], [sflag:$0x1], $0x2800, $0x38;
	[tilespmem:$0x9F00] =	vst v63  }
0x25: {  	s12 =	sadd.s32 $0x1, s12;
	_ =	swait.ge [sflag:s8], $0x2800  }
0x26: {  	p0 =	sne.s32 s12, s7;
	[sflag:s8] =	ssyncset.done $0x0  }
.Ltmp2:
0x27: {  	[sflag:s8] =	ssyncadd.s32 $0xFFFFD800;
	(pc) =	sbr.rel @p0 .LBB2_1-.Ltmp2, $4  }
0x28: {  	[hbm4b:s6+s2] =	stream.linear.scatter [tilespmem:s11], [sflag:$0x1], $0x2800, $0x38;
	[tilespmem:$0x9F00] =	vst v63  }
0x29: {  	_ =	swait.ge [sflag:s8], $0x2800  }
0x2a: {  	[sflag:s8] =	ssyncset.done $0x0  }
0x2b: {  	[sflag:s8] =	ssyncadd.s32 $0xFFFFD800  }
0x2c: {  	_ =	sfence.sel $0x180000  }
0x2d: {  	[bflag:$0x0] =	sbarrier.arrive $0xFFFF  }
0x2e: {  	p0 =	sne.s32 s0, $0x0;
	_ =	strace $0x90000047  }
0x2f: {  	s0 =	sadd.s32 @!p0 $0x100000, s1;
	[bflag:$0x2] =	sbarrier.arrive $0xFFFF  }
0x30: {  	[sflag:s0] =	ssyncadd.tile.s32 @!p0 $0x1;
	_ =	shalt  }
.Lfunc_end2:
_tile_overlayer_lowered:
.L_overlay_start_2:
0x31: {  	(tag) =	ssettag $0x2  }
0x32: {  	s0 =	rddreg [dreg:$0x0];
	s2 =	stileid.u32  }
0x33: {  	s1 =	rddreg [dreg:$0x1];
	p0 =	sne.s32 s2, $0x0  }
0x34: {  	s3 =	rddreg [dreg:$0x2];
	[bflag:$0x3] =	sbarrier.arrive $0xFFFF;
	s2 =	simm.s32 @!p0 $0x1C01  }
0x35: {  	[timem:s3], [sflag:s2] =	dma.local @!p0 [hbm:s0], s1  }
0x36: {  	s0 =	simm.s32 @!p0 $0x1  }
0x37: {  	_ =	swait.ge @!p0 [sflag:s0], s1  }
0x38: {  	s1 =	ssub.s32 @!p0 $0x0, s1;
	[sflag:s0] =	ssyncset.done @!p0 $0x0  }
0x39: {  	[sflag:s0] =	ssyncadd.s32 @!p0 s1  }
0x3a: {  	[bflag:$0x3] =	sbarrier.arrive $0xFFFF  }
0x3b: {  	_ =	shalt  }

// kernel: kernel.9.cloned.1.call-start
scs
__scs_entry_jumppad:
0x0: {  	(pc) =	sbr.rel $0x88, $3  }
0x1: {  	(tag) =	ssettag $0x0;
	lr =	simm.s32 $0x1  }
0x2: {  	[smem:$0x3F9E] =	sst lr;
	_ =	strace $0xD0000000  }
0x3: {  	_ = 	snop  }
0x4: {  	_ = 	snop  }
0x5: {  	_ = 	snop  }
0x6: {  	_ = 	snop  }
0x7: {  	_ = 	snop  }
__scs_overlays_trampoline_lowered:
0x8: {  	[smem:$0x3FAD] =	sst s0  }
0x9: {  	[smem:$0x3FAE] =	sst s1  }
0xa: {  	[smem:$0x3FAF] =	sst s2  }
0xb: {  	[smem:$0x3FB0] =	sst s3  }
0xc: {  	[smem:$0x3FB1] =	sst s4  }
0xd: {  	[smem:$0x3FB2] =	sst s5  }
0xe: {  	[smem:$0x3FB3] =	sst s6  }
0xf: {  	[smem:$0x3FB4] =	sst s7  }
0x10: {  	[smem:$0x3FB5] =	sst s8  }
0x11: {  	[smem:$0x3FB6] =	sst s9;
	s0 =	simm.s32 @!p0 $0x0  }
0x12: {  	s1 =	sld [smem:$0x3F9C];
	s0 =	simm.s32 @p0 $0x1  }
0x13: {  	[smem:$0x3FB7] =	sst s0;
	s0 =	simm.s32 @!p1 $0x0  }
0x14: {  	s2 =	sld [smem:$0x3F9B];
	s0 =	simm.s32 @p1 $0x1  }
0x15: {  	[smem:$0x3FB8] =	sst s0;
	s0 =	simm.s32 @!p2 $0x0  }
0x16: {  	s3 =	sld [smem:$0x3FDB];
	s0 =	simm.s32 @p2 $0x1  }
0x17: {  	s4 =	simm.s32 $0x1BF5;
	[smem:$0x3FBA] =	sst s0  }
0x18: {  	s0 =	sld [smem:$0x3F9D];
	_ =	swait.ge [sflag:s4], $0x0  }
0x19: {  	s7 =	sld [smem:$0x3F9E]  }
0x1a: {  	s8 =	sadd.s32 $0xFFFFE003, lr  }
0x1b: {  	s9 =	sadd.s32 $0xFFFFFEF7, lr;
	s5 =	simm.s32 $0xFFFFFFFF;
	p2 =	slt.u32 s8, $0xFFFFF086  }
0x1c: {  	p1 =	slt.u32 s9, $0xF7A;
	s5 =	simm.s32 @!p2 $0x0  }
0x1d: {  	s5 =	simm.s32 @p1 $0x1;
	p0 =	seq.s32 s7, s2  }
0x1e: {  	s7 =	smul.u32 @!p0 $0xF7A, s2;
	p2 =	seq.s32 @!p0 s5, $0x0  }
0x1f: {  	s9 =	smul.u32 $0xF7A, s1;
	s8 =	simm.s32 @!p0 $0x1BF5;
	p2 =	por !p2, p0  }
0x20: {  	[sflag:s8] =	ssyncset.s32 @!p0 $0xFFFFF086;
	s6 =	sadd.s32 @!p0 s3, s7;
	s7 =	simm.s32 @!p0 $0x108  }
0x21: {  	s3 =	sadd.s32 s3, s9;
	s6 =	sadd.s32 @!p0 $0x88, s6;
	s7 =	simm.s32 @p2 $0x1082  }
0x22: {  	[simem:s7], [sflag:s8] =	dma.local @!p0 [hbm:s6], $0xF7A  }
0x23: {  	s9 =	sor.u32 $0xD0000000, s2;
	s6 =	simm.s32 $0x108;
	_ =	swait.ge @!p0 [sflag:s8], $0x0  }
0x24: {  	s3 =	sadd.s32 $0x88, s3;
	s6 =	simm.s32 @!p1 $0x1082;
	[sflag:s4] =	ssyncset.s32 $0xFFFFF086  }
0x25: {  	[simem:s6], [sflag:s4] =	dma.local [hbm:s3], $0xF7A  }
0x26: {  	[smem:$0x3F9E] =	sst s1;
	(tag) =	ssettag s2;
	_ =	strace s9  }
0x27: {  	s1 =	sld [smem:$0x3FAE]  }
0x28: {  	s2 =	sld [smem:$0x3FAF]  }
0x29: {  	s4 =	sld [smem:$0x3FB1]  }
0x2a: {  	p0 =	seq.s32 s5, $0x0;
	s5 =	sld [smem:$0x3FB2]  }
0x2b: {  	s6 =	sld [smem:$0x3FB3]  }
0x2c: {  	s7 =	sld [smem:$0x3FB4]  }
0x2d: {  	s3 =	simm.s32 $0x108;
	s8 =	sld [smem:$0x3FB5]  }
0x2e: {  	s3 =	simm.s32 @!p0 $0x1082;
	s9 =	sld [smem:$0x3FB6]  }
0x2f: {  	lr =	sadd.s32 s0, s3;
	s0 =	sld [smem:$0x3FAD]  }
0x30: {  	s3 =	sld [smem:$0x3FB0]  }
0x31: {  	[smem:$0x3FB9] =	sst s10  }
0x32: {  	s10 =	sld [smem:$0x3FB7];
	_ =	sdelay $0x3  }
0x33: {  	p0 =	seq.s32 s10, $0x1;
	s10 =	sld [smem:$0x3FB9];
	_ =	sdelay $0x3  }
0x34: {  	[smem:$0x3FB9] =	sst s10  }
0x35: {  	s10 =	sld [smem:$0x3FB8];
	_ =	sdelay $0x3  }
0x36: {  	p1 =	seq.s32 s10, $0x1;
	s10 =	sld [smem:$0x3FB9];
	_ =	sdelay $0x3  }
0x37: {  	[smem:$0x3FB9] =	sst s10  }
0x38: {  	s10 =	sld [smem:$0x3FBA]  }
0x39: {  	_ = 	snop;
	(pc) =	sbr.ind lr, $3  }
0x3a: {  	_ = 	snop  }
0x3b: {  	_ = 	snop  }
0x3c: {  	p2 =	seq.s32 s10, $0x1;
	s10 =	sld [smem:$0x3FB9]  }
0x3d: {  	_ =	shalt  }
0x3e: {  	_ =	shalt  }
0x3f: {  	_ =	shalt  }
0x40: {  	_ =	shalt  }
0x41: {  	_ =	shalt  }
0x42: {  	_ =	shalt  }
0x43: {  	_ =	shalt  }
0x44: {  	_ =	shalt  }
0x45: {  	_ =	shalt  }
0x46: {  	_ =	shalt  }
0x47: {  	_ =	shalt  }
0x48: {  	_ =	shalt  }
0x49: {  	_ =	shalt  }
0x4a: {  	_ =	shalt  }
0x4b: {  	_ =	shalt  }
0x4c: {  	_ =	shalt  }
0x4d: {  	_ =	shalt  }
0x4e: {  	_ =	shalt  }
0x4f: {  	_ =	shalt  }
0x50: {  	_ =	shalt  }
0x51: {  	_ =	shalt  }
0x52: {  	_ =	shalt  }
0x53: {  	_ =	shalt  }
0x54: {  	_ =	shalt  }
0x55: {  	_ =	shalt  }
0x56: {  	_ =	shalt  }
0x57: {  	_ =	shalt  }
0x58: {  	_ =	shalt  }
0x59: {  	_ =	shalt  }
0x5a: {  	_ =	shalt  }
0x5b: {  	_ =	shalt  }
0x5c: {  	_ =	shalt  }
0x5d: {  	_ =	shalt  }
0x5e: {  	_ =	shalt  }
0x5f: {  	_ =	shalt  }
0x60: {  	_ =	shalt  }
0x61: {  	_ =	shalt  }
0x62: {  	_ =	shalt  }
0x63: {  	_ =	shalt  }
0x64: {  	_ =	shalt  }
0x65: {  	_ =	shalt  }
0x66: {  	_ =	shalt  }
0x67: {  	_ =	shalt  }
0x68: {  	_ =	shalt  }
0x69: {  	_ =	shalt  }
0x6a: {  	_ =	shalt  }
0x6b: {  	_ =	shalt  }
0x6c: {  	_ =	shalt  }
0x6d: {  	_ =	shalt  }
0x6e: {  	_ =	shalt  }
0x6f: {  	_ =	shalt  }
0x70: {  	_ =	shalt  }
0x71: {  	_ =	shalt  }
0x72: {  	_ =	shalt  }
0x73: {  	_ =	shalt  }
0x74: {  	_ =	shalt  }
0x75: {  	_ =	shalt  }
0x76: {  	_ =	shalt  }
0x77: {  	_ =	shalt  }
0x78: {  	_ =	shalt  }
0x79: {  	_ =	shalt  }
0x7a: {  	_ =	shalt  }
0x7b: {  	_ =	shalt  }
0x7c: {  	_ =	shalt  }
0x7d: {  	_ =	shalt  }
0x7e: {  	_ =	shalt  }
0x7f: {  	_ =	shalt  }
0x80: {  	_ =	shalt  }
0x81: {  	_ =	shalt  }
0x82: {  	_ =	shalt  }
0x83: {  	_ =	shalt  }
0x84: {  	_ =	shalt  }
0x85: {  	_ =	shalt  }
0x86: {  	_ =	shalt  }
0x87: {  	_ =	shalt  }
.Lfunc_end0:
.L_simem_size_0:
called_computation.1_lowered:
.L_overlay_start_0:
0x88: {  	s2 =	sld [smem:$0x3FD9]  }
0x89: {  	s3 =	sld [smem:$0x3FFE];
	_ =	sdelay $0x1  }
0x8a: {  	s1 =	srdreg.scid  }
0x8b: {  	s0 =	sand.u32 $0x1, s1  }
0x8c: {  	s17 =	sshll.u32 s0, $0xA;
	s2 =	sadd.s32 s3, s2  }
0x8d: {  	s2 =	sadd.s32 s2, s17  }
0x8e: {  	[smem:$0x3FC5] =	sst s2  }
0x8f: {  	_ = 	snop  }
0x90: {  	s2 =	sld [smem:$0x3FD0];
	(tm) =	ssettm $0x1  }
0x91: {  	s18 =	sld [smem:$0x3FFB];
	_ =	sdelay $0x3  }
0x92: {  	_ =	strace s18  }
0x93: {  	s3 =	sld [smem:$0x3FFC];
	_ =	sdelay $0x3  }
0x94: {  	_ =	strace s3  }
0x95: {  	s3 =	sld [smem:$0x3FFD];
	_ =	sdelay $0x3  }
0x96: {  	_ =	strace s3  }
0x97: {  	_ =	strace $0x8FFFFFFF  }
0x98: {  	s19 =	sld [smem:$0x3FDB];
	_ =	sdelay $0x1  }
0x99: {  	s4 =	simm.s32 $_scs_section_size  }
0x9a: {  	s5 =	simm.s32 $_size__tile_overlayer_lowered;
	s6 =	simm.s32 $_tile_overlayer_lowered  }
0x9b: {  	s22 =	simm.s32 $0x1BFF;
	s21 =	sshll.u32 s6, $0x1;
	s3 =	sadd.s32 s4, s19  }
0x9c: {  	s7 =	simm.s32 $0x0;
	s20 =	sshll.u32 s5, $0x1;
	s5 =	sadd.s32 s21, s3  }
0x9d: {  	[timem:s7], [sflag:s22] =	dma.local [hbm:s5], s20  }
0x9e: {  	_ =	swait.ge [sflag:s22], s20  }
0x9f: {  	s4 =	ssub.s32 $0x0, s20;
	[sflag:s22] =	ssyncset.done $0x0  }
0xa0: {  	[sflag:s22] =	ssyncadd.s32 s4;
	_ =	sdelay $0x1  }
0xa1: {  	s23 =	simm.s32 $0x1B8B  }
0xa2: {  	_ =	swait.ge [sflag:s23], $0x1  }
0xa3: {  	[sflag:s23] =	ssyncset.done $0x0  }
0xa4: {  	s25 =	simm.s32 $0x1B8E;
	s24 =	sld [smem:$0x3FFE];
	[sflag:s23] =	ssyncadd.s32 $0xFFFFFFFF  }
0xa5: {  	s26 =	simm.s32 $execute0_lowered;
	[smem:$0x3FD2] =	sst s25  }
0xa6: {  	s5 =	sshll.u32 s26, $0x1;
	_ =	strace $0x80000049;
	[dreg:$0x1] =	wrdreg $0xFFFFFFFF  }
0xa7: {  	s28 =	simm.s32 $_size_execute0_lowered;
	s3 =	sadd.s32 s3, s5;
	[dreg:$0x0] =	wrdreg $0x0  }
0xa8: {  	s5 =	sshll.u32 s28, $0x1;
	[dreg:$0x2] =	wrdreg s3  }
0xa9: {  	[dreg:$0x3] =	wrdreg s5  }
0xaa: {  	[dreg:$0x4] =	wrdreg $0xC0  }
0xab: {  	_ =	task [dreg:s7], $0x5FFFF  }
0xac: {  	[dreg:$0x1] =	wrdreg $0xFFFFFFFF  }
0xad: {  	[dreg:$0x0] =	wrdreg $0x60  }
0xae: {  	[dreg:$0x2] =	wrdreg s24  }
0xaf: {  	[dreg:$0x3] =	wrdreg s2  }
0xb0: {  	[dreg:$0x4] =	wrdreg $0xB7800  }
0xb1: {  	[dreg:$0x5] =	wrdreg $0x9  }
0xb2: {  	_ =	task.clear_ibuf [dreg:s7], $0x6FFFF;
	_ =	strace $0x90000049  }
0xb3: {  	s29 =	simm.s32 $0x9;
	_ =	strace $0x8000004B  }
0xb4: {  	_ =	swait.ge [sflag:s29], $0x1  }
0xb5: {  	[sflag:s29] =	ssyncadd.s32 $0xFFFFFFFF  }
0xb6: {  	_ =	strace $0x9000004B  }
0xb7: {  	_ =	sfence  }
0xb8: {  	s30 =	sld [smem:$0x0];
	_ =	sdelay $0x2  }
0xb9: {  	s31 =	sshll.u32 s1, $0xD;
	s1 =	sshrl.u32 s1, $0x2  }
0xba: {  	s3 =	sand.u32 $0x4000, s31;
	s1 =	sadd.s32 s1, s30  }
0xbb: {  	s0 =	sor.u32 s3, s0;
	s1 =	sshll.u32 s1, $0x11  }
0xbc: {  	s0 =	sor.u32 s1, s0  }
0xbd: {  	s0 =	sadd.s32 $0x8F2B, s0  }
0xbe: {  	[sflag:s0] =	ssyncadd.remote.s32 $0x1  }
0xbf: {  	_ =	sfence.sel $0xFFFF  }
0xc0: {  	[dreg:$0x0] =	wrdreg $0xFFFFFFFF;
	(pc) =	sbr.abs _section_cstart, $3  }
0xc1: {  	[dreg:$0x1] =	wrdreg $0xFFFFFFFF  }
0xc2: {  	_ =	task.clear_ibuf [dreg:s7], $0x2FFFF;
	_ =	strace $0x9FFFFFFF  }
0xc3: {  	(tm) =	ssettm $0x7FFFFFFF  }
tec
execute0_lowered:
.L_overlay_start_1:
0x0: {  	(tag) =	ssettag $0x1  }
0x1: {  	s0 =	rddreg [dreg:$0x0]  }
0x2: {  	s2 =	rddreg [dreg:$0x1]  }
0x3: {  	s1 =	rddreg [dreg:$0x2];
	s3 =	srdreg.scid  }
0x4: {  	s10 =	stileid.u32;
	s17 =	simm.s32 $0x5;
	s19 =	simm.s32 $0x6780  }
0x5: {  	s20 =	simm.s32 $0x50;
	s21 =	simm.s32 $0x8F80;
	s22 =	simm.s32 $0x1  }
0x6: {  	s23 =	simm.s32 $0x3;
	s24 =	simm.s32 $0x2;
	s29 =	simm.s32 $0x6500  }
0x7: {  	s30 =	simm.s32 $0x6580;
	s31 =	simm.s32 $0x0;
	s7 =	smul.u32 $0x14000, s10  }
0x8: {  	s5 =	sand.u32 $0x1, s3;
	s3 =	simm.s32 $0x0;
	s25 =	smul.u32 $0x50000, s10  }
0x9: {  	s4 =	sshll.u32 s10, $0x1;
	s6 =	smul.u32 $0x140000, s5;
	[smem:$0x7FF] =	sst s3  }
0xa: {  	s8 =	sor.u32 s5, s4;
	s4 =	sadd.s32 $0x14E00, s0;
	s5 =	ssub.s32 $0x2, s5  }
0xb: {  	_ =	strace $0x8000004A;
	s9 =	smul.u32 $0x4F0, s8;
	s26 =	sshrl.u32 s5, $0x1  }
0xc: {  	s28 =	sshll.u32 s8, $0xB;
	s6 =	sadd.s32 s7, s6;
	s16 =	ssub.s32 s5, s26  }
0xd: {  	s7 =	sshrl.u32 s25, $0x2;
	s2 =	sadd.s32 s28, s2;
	s25 =	simm.s32 $0x4  }
0xe: {  	s6 =	sshrl.u32 s6, $0x3;
	s9 =	sadd.s32 s9, s0;
	s16 =	smax.u32 s16, $0x1  }
0xf: {  	s0 =	sadd.s32 s6, s0;
	s5 =	sadd.s32 $0x1200, s9;
	s6 =	sadd.s32 s7, s1  }
0x10: {  	s7 =	sadd.s32 $0x10000, s2;
	s8 =	sadd.s32 $0x2800, s6;
	s9 =	sadd.s32 $0x5000, s6  }
0x11: {  	s10 =	sadd.s32 $0x7800, s6;
	s11 =	sadd.s32 $0xA000, s6;
	s12 =	sadd.s32 $0xC800, s6  }
0x12: {  	v0 =	vimm.f32 $0.0e+00;
	s13 =	sadd.s32 $0xF000, s6;
	s14 =	sadd.s32 $0x11800, s6;
	s15 =	sadd.s32 $0x3CE00, s0  }
.LBB2_1:
0x13: {  	[tilespmem:s3], [sflag:$0x5] =	stream.linear.gather [hbm4b:s5+s3], $0x2780, $0x38;
	[tilespmem:$0x1F780] =	vst v63  }
0x14: {  	_ =	swait.ge [sflag:s17], $0x2780  }
0x15: {  	[sflag:s17] =	ssyncset.done $0x0  }
0x16: {  	s0 =	simm.s32 $0x2780;
	[sflag:s17] =	ssyncadd.s32 $0xFFFFD880  }
0x17: {  	[tilespmem:s0], [sflag:$0x5] =	stream.linear.gather [hbm4b:s7+s3], $0x3E80, $0x38;
	[tilespmem:$0x1F780] =	vst v63  }
0x18: {  	_ =	swait.ge [sflag:s17], $0x3E80  }
0x19: {  	[sflag:s17] =	ssyncset.done $0x0  }
0x1a: {  	s2 =	simm.s32 $0x200;
	s0 =	simm.s32 $0x0;
	[sflag:s17] =	ssyncadd.s32 $0xFFFFC180  }
.LBB2_2:
0x1b: {  	p0 =	sne.s32 s2, $0x9E00;
	[tilespmem:s0+$0x67F0] =	vst v0  }
0x1c: {  	[tilespmem:s0+$0x6780] =	vst v0  }
0x1d: {  	[tilespmem:s0+$0x6790] =	vst v0  }
.Ltmp0:
0x1e: {  	[tilespmem:s0+$0x67A0] =	vst v0;
	(pc) =	sbr.rel @p0 .LBB2_2-.Ltmp0, $4  }
0x1f: {  	[tilespmem:s0+$0x67B0] =	vst v0  }
0x20: {  	[tilespmem:s0+$0x67C0] =	vst v0  }
0x21: {  	[tilespmem:s0+$0x67D0] =	vst v0  }
0x22: {  	[tilespmem:s0+$0x67E0] =	vst v0;
	s0 =	sshra.s32 s2, $0x2;
	s2 =	sadd.s32 $0x200, s2  }
0x23: {  	[tilespmem:s0+$0x67F0] =	vst v0  }
0x24: {  	[tilespmem:s0+$0x6780] =	vst v0  }
0x25: {  	[tilespmem:s0+$0x6790] =	vst v0  }
0x26: {  	[tilespmem:s0+$0x67A0] =	vst v0  }
0x27: {  	[tilespmem:s0+$0x67B0] =	vst v0  }
0x28: {  	[tilespmem:s0+$0x67C0] =	vst v0  }
0x29: {  	[tilespmem:s0+$0x67D0] =	vst v0  }
0x2a: {  	[tilespmem:s0+$0x67E0] =	vst v0  }
0x2b: {  	[spmem:s6] =	stream.linear.scatter [tilespmem:s19], [sflag:$0x5], $0x2800, $0x38;
	[tilespmem:$0x1F780] =	vst v63  }
0x2c: {  	_ =	swait.ge [sflag:s17], $0x2800  }
0x2d: {  	[sflag:s17] =	ssyncset.done $0x0  }
0x2e: {  	[sflag:s17] =	ssyncadd.s32 $0xFFFFD800  }
0x2f: {  	[spmem:s8] =	stream.linear.scatter [tilespmem:s19], [sflag:$0x5], $0x2800, $0x38;
	[tilespmem:$0x1F780] =	vst v63  }
0x30: {  	_ =	swait.ge [sflag:s17], $0x2800  }
0x31: {  	[sflag:s17] =	ssyncset.done $0x0  }
0x32: {  	[sflag:s17] =	ssyncadd.s32 $0xFFFFD800  }
0x33: {  	[spmem:s9] =	stream.linear.scatter [tilespmem:s19], [sflag:$0x5], $0x2800, $0x38;
	[tilespmem:$0x1F780] =	vst v63  }
0x34: {  	_ =	swait.ge [sflag:s17], $0x2800  }
0x35: {  	[sflag:s17] =	ssyncset.done $0x0  }
0x36: {  	[sflag:s17] =	ssyncadd.s32 $0xFFFFD800  }
0x37: {  	[spmem:s10] =	stream.linear.scatter [tilespmem:s19], [sflag:$0x5], $0x2800, $0x38;
	[tilespmem:$0x1F780] =	vst v63  }
0x38: {  	_ =	swait.ge [sflag:s17], $0x2800  }
0x39: {  	[sflag:s17] =	ssyncset.done $0x0  }
0x3a: {  	[sflag:s17] =	ssyncadd.s32 $0xFFFFD800  }
0x3b: {  	[spmem:s11] =	stream.linear.scatter [tilespmem:s19], [sflag:$0x5], $0x2800, $0x38;
	[tilespmem:$0x1F780] =	vst v63  }
0x3c: {  	_ =	swait.ge [sflag:s17], $0x2800  }
0x3d: {  	[sflag:s17] =	ssyncset.done $0x0  }
0x3e: {  	[sflag:s17] =	ssyncadd.s32 $0xFFFFD800  }
0x3f: {  	[spmem:s12] =	stream.linear.scatter [tilespmem:s19], [sflag:$0x5], $0x2800, $0x38;
	[tilespmem:$0x1F780] =	vst v63  }
0x40: {  	_ =	swait.ge [sflag:s17], $0x2800  }
0x41: {  	[sflag:s17] =	ssyncset.done $0x0  }
0x42: {  	[sflag:s17] =	ssyncadd.s32 $0xFFFFD800  }
0x43: {  	[spmem:s13] =	stream.linear.scatter [tilespmem:s19], [sflag:$0x5], $0x2800, $0x38;
	[tilespmem:$0x1F780] =	vst v63  }
0x44: {  	_ =	swait.ge [sflag:s17], $0x2800  }
0x45: {  	[sflag:s17] =	ssyncset.done $0x0  }
0x46: {  	[sflag:s17] =	ssyncadd.s32 $0xFFFFD800  }
0x47: {  	[spmem:s14] =	stream.linear.scatter [tilespmem:s19], [sflag:$0x5], $0x2800, $0x38;
	[tilespmem:$0x1F780] =	vst v63  }
0x48: {  	_ =	swait.ge [sflag:s17], $0x2800  }
0x49: {  	[sflag:s17] =	ssyncset.done $0x0  }
0x4a: {  	[sflag:s17] =	ssyncadd.s32 $0xFFFFD800  }
0x4b: {  	s2 =	simm.s32 $0x0;
	[bflag:$0x0] =	sbarrier.arrive $0xFFFF  }
0x4c: {  	[tilespmem:s19], [sflag:$0x1] =	stream.indirect.gather [hbm4b:s4+s20], $0x80, s2, s20, $0xb8;
	[tilespmem:$0x1F780] =	vst v63  }
0x4d: {  	_ = 	snop  }
0x4e: {  	[tilespmem:s21], [sflag:$0x2] =	stream.indirect.gather [hbm4b:s4+s20], $0x80, s20, s20, $0xb8;
	[tilespmem:$0x1F780] =	vst v63  }
0x4f: {  	_ =	swait.ge [sflag:s22], $0x2800  }
0x50: {  	[sflag:s22] =	ssyncset.done $0x0  }
0x51: {  	s18 =	simm.s32 $0x2780;
	[sflag:s22] =	ssyncadd.s32 $0xFFFFD800  }
0x52: {  	[spmem:s1] =	stream.indirect.scatter.add.f32 [tilespmem:s19], [sflag:$0x3], $0x80, s18, s20, $0xb8;
	[tilespmem:$0x1F780] =	vst v63  }
0x53: {  	_ =	swait.ge [sflag:s23], $0x2800  }
0x54: {  	[sflag:s23] =	ssyncset.done $0x0  }
0x55: {  	s26 =	simm.s32 $0xA0;
	[sflag:s23] =	ssyncadd.s32 $0xFFFFD800  }
0x56: {  	[tilespmem:s19], [sflag:$0x1] =	stream.indirect.gather [hbm4b:s4+s20], $0x80, s26, s20, $0xb8;
	[tilespmem:$0x1F780] =	vst v63  }
0x57: {  	_ =	swait.ge [sflag:s24], $0x2800  }
0x58: {  	[sflag:s24] =	ssyncset.done $0x0  }
0x59: {  	s28 =	simm.s32 $0x2800;
	[sflag:s24] =	ssyncadd.s32 $0xFFFFD800  }
0x5a: {  	[spmem:s1] =	stream.indirect.scatter.add.f32 [tilespmem:s21], [sflag:$0x4], $0x80, s28, s20, $0xb8;
	[tilespmem:$0x1F780] =	vst v63  }
0x5b: {  	_ =	swait.ge [sflag:s25], $0x2800  }
0x5c: {  	s0 =	simm.s32 $0xF0;
	[sflag:s25] =	ssyncset.done $0x0  }
0x5d: {  	s2 =	simm.s32 $0x400;
	s18 =	simm.s32 $0x190;
	[sflag:s25] =	ssyncadd.s32 $0xFFFFD800  }
.LBB2_4:
0x5e: {  	[tilespmem:s21], [sflag:$0x2] =	stream.indirect.gather [hbm4b:s4+s20], $0x80, s0, s20, $0xb8;
	[tilespmem:$0x1F780] =	vst v63  }
0x5f: {  	s26 =	smov.u32 s2;
	s0 =	smov.u32 s18  }
0x60: {  	p0 =	sne.s32 s2, $0xF000;
	s2 =	sadd.s32 $0x400, s2;
	_ =	swait.ge [sflag:s22], $0x2800  }
0x61: {  	s26 =	sshra.s32 s26, $0x2;
	[sflag:s22] =	ssyncset.done $0x0  }
0x62: {  	s28 =	sadd.s32 $0x2780, s26;
	[sflag:s22] =	ssyncadd.s32 $0xFFFFD800  }
0x63: {  	[spmem:s1] =	stream.indirect.scatter.add.f32 [tilespmem:s19], [sflag:$0x3], $0x80, s28, s20, $0xb8;
	[tilespmem:$0x1F780] =	vst v63  }
0x64: {  	_ =	swait.ge [sflag:s23], $0x2800  }
0x65: {  	[sflag:s23] =	ssyncset.done $0x0  }
0x66: {  	s28 =	sadd.s32 $0xFFFFFFB0, s18;
	[sflag:s23] =	ssyncadd.s32 $0xFFFFD800  }
0x67: {  	[tilespmem:s19], [sflag:$0x1] =	stream.indirect.gather [hbm4b:s4+s20], $0x80, s28, s20, $0xb8;
	[tilespmem:$0x1F780] =	vst v63  }
0x68: {  	_ =	swait.ge [sflag:s24], $0x2800  }
0x69: {  	[sflag:s24] =	ssyncset.done $0x0  }
.Ltmp1:
0x6a: {  	s26 =	sadd.s32 $0x2800, s26;
	[sflag:s24] =	ssyncadd.s32 $0xFFFFD800;
	(pc) =	sbr.rel @p0 .LBB2_4-.Ltmp1, $4  }
0x6b: {  	[spmem:s1] =	stream.indirect.scatter.add.f32 [tilespmem:s21], [sflag:$0x4], $0x80, s26, s20, $0xb8;
	[tilespmem:$0x1F780] =	vst v63  }
0x6c: {  	_ =	swait.ge [sflag:s25], $0x2800  }
0x6d: {  	[sflag:s25] =	ssyncset.done $0x0  }
0x6e: {  	s18 =	sadd.s32 $0xA0, s18;
	[sflag:s25] =	ssyncadd.s32 $0xFFFFD800  }
0x6f: {  	[tilespmem:s21], [sflag:$0x2] =	stream.indirect.gather [hbm4b:s4+s20], $0x80, s0, s20, $0xb8;
	[tilespmem:$0x1F780] =	vst v63  }
0x70: {  	_ =	swait.ge [sflag:s22], $0x2800  }
0x71: {  	[sflag:s22] =	ssyncset.done $0x0  }
0x72: {  	s18 =	simm.s32 $0x6480;
	[sflag:s22] =	ssyncadd.s32 $0xFFFFD800  }
0x73: {  	[spmem:s1] =	stream.indirect.scatter.add.f32 [tilespmem:s19], [sflag:$0x3], $0x80, s18, s20, $0xb8;
	[tilespmem:$0x1F780] =	vst v63  }
0x74: {  	_ =	swait.ge [sflag:s23], $0x2800  }
0x75: {  	[sflag:s23] =	ssyncset.done $0x0  }
0x76: {  	s26 =	simm.s32 $0x26C0;
	[sflag:s23] =	ssyncadd.s32 $0xFFFFD800  }
0x77: {  	[tilespmem:s19], [sflag:$0x1] =	stream.indirect.gather [hbm4b:s4+s20], $0x80, s26, s20, $0xb8;
	[tilespmem:$0x1F780] =	vst v63  }
0x78: {  	_ =	swait.ge [sflag:s24], $0x2800  }
0x79: {  	[sflag:s24] =	ssyncset.done $0x0  }
0x7a: {  	[sflag:s24] =	ssyncadd.s32 $0xFFFFD800  }
0x7b: {  	[spmem:s1] =	stream.indirect.scatter.add.f32 [tilespmem:s21], [sflag:$0x4], $0x80, s29, s20, $0xb8;
	[tilespmem:$0x1F780] =	vst v63  }
0x7c: {  	_ =	swait.ge [sflag:s25], $0x2800  }
0x7d: {  	[sflag:s25] =	ssyncset.done $0x0  }
0x7e: {  	[sflag:s25] =	ssyncadd.s32 $0xFFFFD800  }
0x7f: {  	_ =	swait.ge [sflag:s22], $0x2800  }
0x80: {  	[sflag:s22] =	ssyncset.done $0x0  }
0x81: {  	[sflag:s22] =	ssyncadd.s32 $0xFFFFD800  }
0x82: {  	[spmem:s1] =	stream.indirect.scatter.add.f32 [tilespmem:s19], [sflag:$0x3], $0x80, s30, s20, $0xb8;
	[tilespmem:$0x1F780] =	vst v63  }
0x83: {  	s28 =	stileid.u32;
	_ =	swait.ge [sflag:s23], $0x2800  }
0x84: {  	s2 =	sshrl.u32 s6, $0x3;
	s31 =	sadd.s32 $0x1, s31;
	[sflag:s23] =	ssyncset.done $0x0  }
0x85: {  	s0 =	sshll.u32 s28, $0x6;
	p0 =	sne.s32 s31, s16;
	[sflag:s23] =	ssyncadd.s32 $0xFFFFD800  }
.Ltmp2:
0x86: {  	s0 =	sor.u32 $0x1C05, s0;
	[bflag:$0x0] =	sbarrier.arrive $0xFFFF;
	(pc) =	sbr.rel @p0 .LBB2_1-.Ltmp2, $4  }
0x87: {  	[hbm:s15], [sflag:s0] =	dma.local [spmem:s2], $0x2800  }
0x88: {  	_ =	swait.ge [sflag:s17], $0x2800  }
0x89: {  	[sflag:s17] =	ssyncset.done $0x0  }
0x8a: {  	[sflag:s17] =	ssyncadd.s32 $0xFFFFD800  }
0x8b: {  	_ =	sfence.sel $0x180000  }
0x8c: {  	[bflag:$0x0] =	sbarrier.arrive $0xFFFF  }
0x8d: {  	_ =	strace $0x9000004A  }
0x8e: {  	s0 =	stileid.u32;
	[bflag:$0x2] =	sbarrier.arrive $0xFFFF  }
0x8f: {  	p0 =	sne.s32 s0, $0x0;
	s0 =	rddreg [dreg:$0x3]  }
0x90: {  	s0 =	sadd.s32 @!p0 $0x100000, s0  }
0x91: {  	[sflag:s0] =	ssyncadd.tile.s32 @!p0 $0x1;
	_ =	shalt  }
.Lfunc_end2:
_tile_overlayer_lowered:
.L_overlay_start_2:
0x92: {  	(tag) =	ssettag $0x2  }
0x93: {  	s0 =	rddreg [dreg:$0x0];
	s2 =	stileid.u32  }
0x94: {  	s1 =	rddreg [dreg:$0x1];
	p0 =	sne.s32 s2, $0x0  }
0x95: {  	s3 =	rddreg [dreg:$0x2];
	[bflag:$0x3] =	sbarrier.arrive $0xFFFF;
	s2 =	simm.s32 @!p0 $0x1C05  }
0x96: {  	[timem:s3], [sflag:s2] =	dma.local @!p0 [hbm:s0], s1  }
0x97: {  	s0 =	simm.s32 @!p0 $0x5  }
0x98: {  	_ =	swait.ge @!p0 [sflag:s0], s1  }
0x99: {  	s1 =	ssub.s32 @!p0 $0x0, s1;
	[sflag:s0] =	ssyncset.done @!p0 $0x0  }
0x9a: {  	[sflag:s0] =	ssyncadd.s32 @!p0 s1  }
0x9b: {  	[bflag:$0x3] =	sbarrier.arrive $0xFFFF  }
0x9c: {  	_ =	shalt  }

</sc_bundles>
